<compile_context>
chip_gen: v7x
topology: tpu7x:2x2x1
jax: 0.10.2.dev20260603
libtpu: 0.0.44.dev20260713+nightly
codegen_flags: <defaults>
</compile_context>

<pallas_src>
import jax
import jax.numpy as jnp
from jax import lax
from jax.experimental import pallas as pl
from jax.experimental.pallas import tpu as pltpu
from jax.experimental.pallas import tpu_sc as plsc

_N = 100000
_D = 128
_S = 256
_NSC = 36000
_C = 80
_NCHUNK = _NSC // _C
_CB = 400
_NBCHUNK = (_N - _NSC) // _CB
_NCORE = 2
_NSUB = 16
_NW = _NCORE * _NSUB
_NKMAX = (_NCHUNK + _NW - 1) // _NW
_PAD = 16

_BLK = 4000
_NTCB = (_N - _NSC) // _BLK


def _sc_pool(x_hbm, idx_hbm, idxp_hbm, out_hbm, lb_hbm, ub_hbm,
             xbuf0, xbuf1, ixbuf0, ixbuf1, ixp0, ixp1, bbuf, zbuf,
             lb_loc, ub_loc, acc_sh,
             xsem0, xsem1, isem0, isem1, psem0, psem1, ssem0, ssem1):
    ci = lax.axis_index("c")
    si = lax.axis_index("s")
    wid = si * _NCORE + ci

    xbufs = (xbuf0, xbuf1)
    ixbufs = (ixbuf0, ixbuf1)
    ixps = (ixp0, ixp1)
    xsems = (xsem0, xsem1)
    isems = (isem0, isem1)
    psems = (psem0, psem1)
    ssems = (ssem0, ssem1)

    zeros16 = jnp.zeros((16,), jnp.float32)
    zeros16i = jnp.zeros((16,), jnp.int32)
    lane = lax.iota(jnp.int32, 16)

    def _fill_zero(r, carry):
        for j in range(_D // 16):
            zbuf[r, pl.ds(16 * j, 16)] = zeros16
        return carry
    lax.fori_loop(0, 16, _fill_zero, 0)

    for g in range(_S // 16):
        lb_loc[pl.ds(16 * g, 16)] = zeros16i
        ub_loc[pl.ds(16 * g, 16)] = zeros16i

    pltpu.sync_copy(zbuf, acc_sh.at[pl.ds(16 * si, 16), :])

    plsc.subcore_barrier()

    nk = (_NCHUNK - wid + _NW - 1) // _NW

    def _start(j, b):
        base = (wid + j * _NW) * _C

        @pl.when(j >= 2)
        def _wait_prev_scatter():
            pltpu.make_async_copy(xbufs[b], acc_sh.at[ixbufs[b]],
                                  ssems[b]).wait()

        pltpu.make_async_copy(x_hbm.at[pl.ds(base, _C), :], xbufs[b],
                              xsems[b]).start()
        pltpu.make_async_copy(idx_hbm.at[pl.ds(base, _C)], ixbufs[b],
                              isems[b]).start()
        pltpu.make_async_copy(idxp_hbm.at[pl.ds(base, _C + _PAD)], ixps[b],
                              psems[b]).start()

    def _finish(j, b):
        base = (wid + j * _NW) * _C
        pltpu.make_async_copy(x_hbm.at[pl.ds(0, _C), :], xbufs[b],
                              xsems[b]).wait()
        pltpu.make_async_copy(idx_hbm.at[pl.ds(0, _C)], ixbufs[b],
                              isems[b]).wait()
        pltpu.make_async_copy(idxp_hbm.at[pl.ds(0, _C + _PAD)], ixps[b],
                              psems[b]).wait()
        pltpu.make_async_copy(xbufs[b], acc_sh.at[ixbufs[b]],
                              ssems[b]).start(add=True)
        for r in range(_C // 16):
            cur = ixps[b][pl.ds(_PAD + 16 * r, 16)]
            prv = ixps[b][pl.ds(_PAD - 1 + 16 * r, 16)]
            trans = cur != prv
            pos = base + 16 * r + lane
            plsc.store_scatter(lb_loc, [cur], pos, mask=trans)
            plsc.store_scatter(ub_loc, [prv], pos, mask=trans)

    _start(0, 0)

    def _pair(k2, carry):
        j0 = 2 * k2
        j1 = j0 + 1

        @pl.when(j0 < nk)
        def _even():
            @pl.when(j1 < nk)
            def _():
                _start(j1, 1)
            _finish(j0, 0)

        @pl.when(j1 < nk)
        def _odd():
            @pl.when(j1 + 1 < nk)
            def _():
                _start(j1 + 1, 0)
            _finish(j1, 1)

        return carry
    lax.fori_loop(0, (_NKMAX + 1) // 2, _pair, 0)

    for b in range(2):
        pltpu.make_async_copy(xbufs[b], acc_sh.at[ixbufs[b]],
                              ssems[b]).wait()

    nb = (_NBCHUNK - wid + _NW - 1) // _NW

    def _bchunk(k, carry):
        base = _NSC + (wid + k * _NW) * _CB
        pltpu.sync_copy(idxp_hbm.at[pl.ds(base, _CB + _PAD)], bbuf)

        def _bvec(r, carry2):
            cur = bbuf[pl.ds(_PAD + 16 * r, 16)]
            prv = bbuf[pl.ds(_PAD - 1 + 16 * r, 16)]
            trans = cur != prv
            pos = base + 16 * r + lane
            plsc.store_scatter(lb_loc, [cur], pos, mask=trans)
            plsc.store_scatter(ub_loc, [prv], pos, mask=trans)
            return carry2
        lax.fori_loop(0, _CB // 16, _bvec, 0)
        return carry
    lax.fori_loop(0, nb, _bchunk, 0)

    @pl.when(wid == (_NBCHUNK - 1) % _NW)
    def _last_chunk():
        cur = bbuf[pl.ds(_PAD + _CB - 16, 16)]
        endv = jnp.full((16,), _N, jnp.int32)
        plsc.store_scatter(ub_loc, [cur], endv, mask=lane == 15)

    pltpu.sync_copy(lb_loc, lb_hbm.at[wid])
    pltpu.sync_copy(ub_loc, ub_hbm.at[wid])

    plsc.subcore_barrier()

    @pl.when(si == 0)
    def _writeout():
        pltpu.sync_copy(acc_sh, out_hbm.at[ci])


_sc_call = pl.kernel(
    _sc_pool,
    out_type=(
        jax.ShapeDtypeStruct((_NCORE, _S, _D), jnp.float32),
        jax.ShapeDtypeStruct((_NW, _S), jnp.int32),
        jax.ShapeDtypeStruct((_NW, _S), jnp.int32),
    ),
    mesh=plsc.VectorSubcoreMesh(core_axis_name="c", subcore_axis_name="s"),
    compiler_params=pltpu.CompilerParams(needs_layout_passes=False),
    scratch_types=[
        pltpu.VMEM((_C, _D), jnp.float32),
        pltpu.VMEM((_C, _D), jnp.float32),
        pltpu.VMEM((_C,), jnp.int32),
        pltpu.VMEM((_C,), jnp.int32),
        pltpu.VMEM((_C + _PAD,), jnp.int32),
        pltpu.VMEM((_C + _PAD,), jnp.int32),
        pltpu.VMEM((_CB + _PAD,), jnp.int32),
        pltpu.VMEM((16, _D), jnp.float32),
        pltpu.VMEM((_S,), jnp.int32),
        pltpu.VMEM((_S,), jnp.int32),
        pltpu.VMEM_SHARED((_S, _D), jnp.float32),
        pltpu.SemaphoreType.DMA,
        pltpu.SemaphoreType.DMA,
        pltpu.SemaphoreType.DMA,
        pltpu.SemaphoreType.DMA,
        pltpu.SemaphoreType.DMA,
        pltpu.SemaphoreType.DMA,
        pltpu.SemaphoreType.DMA,
        pltpu.SemaphoreType.DMA,
    ],
)


def _tc_pool(idx_ref, x_ref, out_ref, acc_ref):
    i = pl.program_id(0)

    idx = idx_ref[0, 0, :]
    xb = x_ref[...].astype(jnp.bfloat16)
    seg = lax.broadcasted_iota(jnp.int32, (_S, _BLK), 0)
    oh = (seg == idx[None, :]).astype(jnp.bfloat16)
    psum = lax.dot(oh, xb, preferred_element_type=jnp.float32)

    @pl.when(i == 0)
    def _init():
        acc_ref[...] = psum

    @pl.when(i > 0)
    def _acc():
        acc_ref[...] += psum

    @pl.when(i == _NTCB - 1)
    def _fin():
        out_ref[...] = acc_ref[...]


def _combine(tc_ref, sc_ref, lb_ref, ub_ref, out_ref):
    s = tc_ref[...] + sc_ref[0] + sc_ref[1]
    diff = (ub_ref[...] - lb_ref[...]).astype(jnp.float32)
    ones = jnp.ones((_NW, 1), jnp.float32)
    c = lax.dot_general(diff, ones, (((0,), (0,)), ((), ())),
                        precision=lax.Precision.HIGHEST,
                        preferred_element_type=jnp.float32)
    out_ref[...] = s / jnp.maximum(c, 1.0)


def kernel(x, batch_indices):
    idx32 = batch_indices.astype(jnp.int32)
    idxp = jnp.concatenate([jnp.zeros((_PAD,), jnp.int32), idx32])
    idx3 = idx32[_NSC:].reshape(_NTCB, 1, _BLK)
    sc_part, lb, ub = _sc_call(x, idx32, idxp)
    tc_part = pl.pallas_call(
        _tc_pool,
        grid=(_NTCB,),
        in_specs=[
            pl.BlockSpec((1, 1, _BLK), lambda i: (i, 0, 0)),
            pl.BlockSpec((_BLK, _D), lambda i: (i + _NSC // _BLK, 0)),
        ],
        out_specs=pl.BlockSpec((_S, _D), lambda i: (0, 0)),
        out_shape=jax.ShapeDtypeStruct((_S, _D), jnp.float32),
        scratch_shapes=[pltpu.VMEM((_S, _D), jnp.float32)],
    )(idx3, x)

    out = pl.pallas_call(
        _combine,
        out_shape=jax.ShapeDtypeStruct((_S, _D), jnp.float32),
    )(tc_part, sc_part, lb, ub)
    return (out, None)

# --- scband reference (transcript-rebuilt; emitter-appended) ---
"""Pipeline reference for scband-mean-pooling-layer-66022237274244 (READ-ONLY COPY).

The authoritative reference and input builder live on the scoring server;
editing this copy changes nothing except your own understanding.
"""

import jax, jax.numpy as jnp
import numpy as np

NUM_NODES = 100000
D_FEAT = 128
NUM_SEGMENTS = 256

def setup_inputs(seed: int = 0) -> dict:
    key = jax.random.key(seed)
    k1, k2 = jax.random.split(key)
    x = jax.random.normal(k1, (NUM_NODES, D_FEAT), dtype=jnp.float32)
    batch_indices = jnp.sort(jax.random.randint(k2, (NUM_NODES,), 0, NUM_SEGMENTS, dtype=jnp.int64))
    return {"x": x, "batch_indices": batch_indices}

def reference(x, batch_indices):
    # scatter_mean: per-segment sum divided by per-segment count
    sums = jax.ops.segment_sum(x, batch_indices, num_segments=NUM_SEGMENTS)
    counts = jax.ops.segment_sum(jnp.ones((x.shape[0],), dtype=x.dtype), batch_indices, num_segments=NUM_SEGMENTS)
    counts = jnp.clip(counts, 1.0, None)
    x_pooled = sums / counts[:, None]
    return (x_pooled, None)

if __name__ == "__main__":
    import jax
    _d = setup_inputs()
    print(jax.jit(kernel)(*tuple(_d.values())))

</pallas_src>

<mosaic_0001>
#map = affine_map<(d0, d1) -> (0, 0)>
#map1 = affine_map<(d0, d1) -> (0)>
#map2 = affine_map<(d0, d1) -> (0, 0, 0)>
module attributes {stable_mosaic.version = 14 : i64} {
  func.func @_sc_pool(%arg0: i32, %arg1: i32, %arg2: memref<100000x128xf32, #tpu.memory_space<hbm>>, %arg3: memref<100000xi32, #tpu.memory_space<hbm>>, %arg4: memref<100016xi32, #tpu.memory_space<hbm>>, %arg5: memref<2x256x128xf32, #tpu.memory_space<hbm>>, %arg6: memref<32x256xi32, #tpu.memory_space<hbm>>, %arg7: memref<32x256xi32, #tpu.memory_space<hbm>>, %arg8: memref<80x128xf32, #tpu.memory_space<vmem>>, %arg9: memref<80x128xf32, #tpu.memory_space<vmem>>, %arg10: memref<80xi32, #tpu.memory_space<vmem>>, %arg11: memref<80xi32, #tpu.memory_space<vmem>>, %arg12: memref<96xi32, #tpu.memory_space<vmem>>, %arg13: memref<96xi32, #tpu.memory_space<vmem>>, %arg14: memref<416xi32, #tpu.memory_space<vmem>>, %arg15: memref<16x128xf32, #tpu.memory_space<vmem>>, %arg16: memref<256xi32, #tpu.memory_space<vmem>>, %arg17: memref<256xi32, #tpu.memory_space<vmem>>, %arg18: memref<256x128xf32, #tpu.memory_space<vmem_shared>>, %arg19: memref<!tpu.dma_semaphore, #tpu.memory_space<semaphore_mem>>, %arg20: memref<!tpu.dma_semaphore, #tpu.memory_space<semaphore_mem>>, %arg21: memref<!tpu.dma_semaphore, #tpu.memory_space<semaphore_mem>>, %arg22: memref<!tpu.dma_semaphore, #tpu.memory_space<semaphore_mem>>, %arg23: memref<!tpu.dma_semaphore, #tpu.memory_space<semaphore_mem>>, %arg24: memref<!tpu.dma_semaphore, #tpu.memory_space<semaphore_mem>>, %arg25: memref<!tpu.dma_semaphore, #tpu.memory_space<semaphore_mem>>, %arg26: memref<!tpu.dma_semaphore, #tpu.memory_space<semaphore_mem>>) attributes {dimension_semantics = [#tpu.dimension_semantics<core_parallel>, #tpu.dimension_semantics<subcore_parallel>], iteration_bounds = array<i64: 2, 16>, scalar_prefetch = 0 : i64, scratch_operands = 19 : i64, tpu.core_type = #tpu.core_type<sc_vector_subcore>, window_params = [{transform_indices = #map}, {transform_indices = #map1}, {transform_indices = #map1}, {transform_indices = #map2}, {transform_indices = #map}, {transform_indices = #map}]} {
    %mul3A = arith.constant 2 : i32
    %mul3A_0 = arith.muli %arg1, %mul3A : i32
    %add3A = arith.addi %mul3A_0, %arg0 : i32
    %broadcast_in_dim3A = arith.constant 0.000000e+00 : f32
    %broadcast_in_dim3A_1 = vector.broadcast %broadcast_in_dim3A : f32 to vector<16xf32>
    %broadcast_in_dim3A_2 = arith.constant 0 : i32
    %broadcast_in_dim3A_3 = vector.broadcast %broadcast_in_dim3A_2 : i32 to vector<16xi32>
    %iota3A = tpu.iota {dimensions = array<i32: 0>} : vector<16xi32>
    %scan3A = arith.constant 0 : i32
    %scan3A_4 = arith.constant 0 : i32
    %scan3A_5 = arith.constant 16 : i32
    %scan3A_6 = arith.addi %scan3A_4, %scan3A_5 : i32
    %scan3A_7 = arith.constant 1 : i32
    scf.for %scan3A_165 = %scan3A_4 to %scan3A_6 step %scan3A_7  : i32 {
      %swap3A_166 = arith.index_cast %scan3A_165 : i32 to index
      %swap3A_167 = arith.constant 0 : index
      %swap3A_168 = tpu.vector_load %arg15[%swap3A_166, %swap3A_167] {strides = array<i32>} : memref<16x128xf32, #tpu.memory_space<vmem>>, vector<16xf32>,
      tpu.vector_store %arg15[%swap3A_166, %swap3A_167], %broadcast_in_dim3A_1 {strides = array<i32>} : memref<16x128xf32, #tpu.memory_space<vmem>>, vector<16xf32>,
      %swap3A_169 = arith.index_cast %scan3A_165 : i32 to index
      %swap3A_170 = arith.constant 16 : index
      %swap3A_171 = tpu.vector_load %arg15[%swap3A_169, %swap3A_170] {strides = array<i32>} : memref<16x128xf32, #tpu.memory_space<vmem>>, vector<16xf32>,
      tpu.vector_store %arg15[%swap3A_169, %swap3A_170], %broadcast_in_dim3A_1 {strides = array<i32>} : memref<16x128xf32, #tpu.memory_space<vmem>>, vector<16xf32>,
      %swap3A_172 = arith.index_cast %scan3A_165 : i32 to index
      %swap3A_173 = arith.constant 32 : index
      %swap3A_174 = tpu.vector_load %arg15[%swap3A_172, %swap3A_173] {strides = array<i32>} : memref<16x128xf32, #tpu.memory_space<vmem>>, vector<16xf32>,
      tpu.vector_store %arg15[%swap3A_172, %swap3A_173], %broadcast_in_dim3A_1 {strides = array<i32>} : memref<16x128xf32, #tpu.memory_space<vmem>>, vector<16xf32>,
      %swap3A_175 = arith.index_cast %scan3A_165 : i32 to index
      %swap3A_176 = arith.constant 48 : index
      %swap3A_177 = tpu.vector_load %arg15[%swap3A_175, %swap3A_176] {strides = array<i32>} : memref<16x128xf32, #tpu.memory_space<vmem>>, vector<16xf32>,
      tpu.vector_store %arg15[%swap3A_175, %swap3A_176], %broadcast_in_dim3A_1 {strides = array<i32>} : memref<16x128xf32, #tpu.memory_space<vmem>>, vector<16xf32>,
      %swap3A_178 = arith.index_cast %scan3A_165 : i32 to index
      %swap3A_179 = arith.constant 64 : index
      %swap3A_180 = tpu.vector_load %arg15[%swap3A_178, %swap3A_179] {strides = array<i32>} : memref<16x128xf32, #tpu.memory_space<vmem>>, vector<16xf32>,
      tpu.vector_store %arg15[%swap3A_178, %swap3A_179], %broadcast_in_dim3A_1 {strides = array<i32>} : memref<16x128xf32, #tpu.memory_space<vmem>>, vector<16xf32>,
      %swap3A_181 = arith.index_cast %scan3A_165 : i32 to index
      %swap3A_182 = arith.constant 80 : index
      %swap3A_183 = tpu.vector_load %arg15[%swap3A_181, %swap3A_182] {strides = array<i32>} : memref<16x128xf32, #tpu.memory_space<vmem>>, vector<16xf32>,
      tpu.vector_store %arg15[%swap3A_181, %swap3A_182], %broadcast_in_dim3A_1 {strides = array<i32>} : memref<16x128xf32, #tpu.memory_space<vmem>>, vector<16xf32>,
      %swap3A_184 = arith.index_cast %scan3A_165 : i32 to index
      %swap3A_185 = arith.constant 96 : index
      %swap3A_186 = tpu.vector_load %arg15[%swap3A_184, %swap3A_185] {strides = array<i32>} : memref<16x128xf32, #tpu.memory_space<vmem>>, vector<16xf32>,
      tpu.vector_store %arg15[%swap3A_184, %swap3A_185], %broadcast_in_dim3A_1 {strides = array<i32>} : memref<16x128xf32, #tpu.memory_space<vmem>>, vector<16xf32>,
      %swap3A_187 = arith.index_cast %scan3A_165 : i32 to index
      %swap3A_188 = arith.constant 112 : index
      %swap3A_189 = tpu.vector_load %arg15[%swap3A_187, %swap3A_188] {strides = array<i32>} : memref<16x128xf32, #tpu.memory_space<vmem>>, vector<16xf32>,
      tpu.vector_store %arg15[%swap3A_187, %swap3A_188], %broadcast_in_dim3A_1 {strides = array<i32>} : memref<16x128xf32, #tpu.memory_space<vmem>>, vector<16xf32>,
    }
    %scan3A_8 = arith.constant 16 : i32
    %swap3A = arith.constant 0 : index
    %swap3A_9 = tpu.vector_load %arg16[%swap3A] {strides = array<i32>} : memref<256xi32, #tpu.memory_space<vmem>>, vector<16xi32>,
    tpu.vector_store %arg16[%swap3A], %broadcast_in_dim3A_3 {strides = array<i32>} : memref<256xi32, #tpu.memory_space<vmem>>, vector<16xi32>,
    %swap3A_10 = arith.constant 0 : index
    %swap3A_11 = tpu.vector_load %arg17[%swap3A_10] {strides = array<i32>} : memref<256xi32, #tpu.memory_space<vmem>>, vector<16xi32>,
    tpu.vector_store %arg17[%swap3A_10], %broadcast_in_dim3A_3 {strides = array<i32>} : memref<256xi32, #tpu.memory_space<vmem>>, vector<16xi32>,
    %swap3A_12 = arith.constant 16 : index
    %swap3A_13 = tpu.vector_load %arg16[%swap3A_12] {strides = array<i32>} : memref<256xi32, #tpu.memory_space<vmem>>, vector<16xi32>,
    tpu.vector_store %arg16[%swap3A_12], %broadcast_in_dim3A_3 {strides = array<i32>} : memref<256xi32, #tpu.memory_space<vmem>>, vector<16xi32>,
    %swap3A_14 = arith.constant 16 : index
    %swap3A_15 = tpu.vector_load %arg17[%swap3A_14] {strides = array<i32>} : memref<256xi32, #tpu.memory_space<vmem>>, vector<16xi32>,
    tpu.vector_store %arg17[%swap3A_14], %broadcast_in_dim3A_3 {strides = array<i32>} : memref<256xi32, #tpu.memory_space<vmem>>, vector<16xi32>,
    %swap3A_16 = arith.constant 32 : index
    %swap3A_17 = tpu.vector_load %arg16[%swap3A_16] {strides = array<i32>} : memref<256xi32, #tpu.memory_space<vmem>>, vector<16xi32>,
    tpu.vector_store %arg16[%swap3A_16], %broadcast_in_dim3A_3 {strides = array<i32>} : memref<256xi32, #tpu.memory_space<vmem>>, vector<16xi32>,
    %swap3A_18 = arith.constant 32 : index
    %swap3A_19 = tpu.vector_load %arg17[%swap3A_18] {strides = array<i32>} : memref<256xi32, #tpu.memory_space<vmem>>, vector<16xi32>,
    tpu.vector_store %arg17[%swap3A_18], %broadcast_in_dim3A_3 {strides = array<i32>} : memref<256xi32, #tpu.memory_space<vmem>>, vector<16xi32>,
    %swap3A_20 = arith.constant 48 : index
    %swap3A_21 = tpu.vector_load %arg16[%swap3A_20] {strides = array<i32>} : memref<256xi32, #tpu.memory_space<vmem>>, vector<16xi32>,
    tpu.vector_store %arg16[%swap3A_20], %broadcast_in_dim3A_3 {strides = array<i32>} : memref<256xi32, #tpu.memory_space<vmem>>, vector<16xi32>,
    %swap3A_22 = arith.constant 48 : index
    %swap3A_23 = tpu.vector_load %arg17[%swap3A_22] {strides = array<i32>} : memref<256xi32, #tpu.memory_space<vmem>>, vector<16xi32>,
    tpu.vector_store %arg17[%swap3A_22], %broadcast_in_dim3A_3 {strides = array<i32>} : memref<256xi32, #tpu.memory_space<vmem>>, vector<16xi32>,
    %swap3A_24 = arith.constant 64 : index
    %swap3A_25 = tpu.vector_load %arg16[%swap3A_24] {strides = array<i32>} : memref<256xi32, #tpu.memory_space<vmem>>, vector<16xi32>,
    tpu.vector_store %arg16[%swap3A_24], %broadcast_in_dim3A_3 {strides = array<i32>} : memref<256xi32, #tpu.memory_space<vmem>>, vector<16xi32>,
    %swap3A_26 = arith.constant 64 : index
    %swap3A_27 = tpu.vector_load %arg17[%swap3A_26] {strides = array<i32>} : memref<256xi32, #tpu.memory_space<vmem>>, vector<16xi32>,
    tpu.vector_store %arg17[%swap3A_26], %broadcast_in_dim3A_3 {strides = array<i32>} : memref<256xi32, #tpu.memory_space<vmem>>, vector<16xi32>,
    %swap3A_28 = arith.constant 80 : index
    %swap3A_29 = tpu.vector_load %arg16[%swap3A_28] {strides = array<i32>} : memref<256xi32, #tpu.memory_space<vmem>>, vector<16xi32>,
    tpu.vector_store %arg16[%swap3A_28], %broadcast_in_dim3A_3 {strides = array<i32>} : memref<256xi32, #tpu.memory_space<vmem>>, vector<16xi32>,
    %swap3A_30 = arith.constant 80 : index
    %swap3A_31 = tpu.vector_load %arg17[%swap3A_30] {strides = array<i32>} : memref<256xi32, #tpu.memory_space<vmem>>, vector<16xi32>,
    tpu.vector_store %arg17[%swap3A_30], %broadcast_in_dim3A_3 {strides = array<i32>} : memref<256xi32, #tpu.memory_space<vmem>>, vector<16xi32>,
    %swap3A_32 = arith.constant 96 : index
    %swap3A_33 = tpu.vector_load %arg16[%swap3A_32] {strides = array<i32>} : memref<256xi32, #tpu.memory_space<vmem>>, vector<16xi32>,
    tpu.vector_store %arg16[%swap3A_32], %broadcast_in_dim3A_3 {strides = array<i32>} : memref<256xi32, #tpu.memory_space<vmem>>, vector<16xi32>,
    %swap3A_34 = arith.constant 96 : index
    %swap3A_35 = tpu.vector_load %arg17[%swap3A_34] {strides = array<i32>} : memref<256xi32, #tpu.memory_space<vmem>>, vector<16xi32>,
    tpu.vector_store %arg17[%swap3A_34], %broadcast_in_dim3A_3 {strides = array<i32>} : memref<256xi32, #tpu.memory_space<vmem>>, vector<16xi32>,
    %swap3A_36 = arith.constant 112 : index
    %swap3A_37 = tpu.vector_load %arg16[%swap3A_36] {strides = array<i32>} : memref<256xi32, #tpu.memory_space<vmem>>, vector<16xi32>,
    tpu.vector_store %arg16[%swap3A_36], %broadcast_in_dim3A_3 {strides = array<i32>} : memref<256xi32, #tpu.memory_space<vmem>>, vector<16xi32>,
    %swap3A_38 = arith.constant 112 : index
    %swap3A_39 = tpu.vector_load %arg17[%swap3A_38] {strides = array<i32>} : memref<256xi32, #tpu.memory_space<vmem>>, vector<16xi32>,
    tpu.vector_store %arg17[%swap3A_38], %broadcast_in_dim3A_3 {strides = array<i32>} : memref<256xi32, #tpu.memory_space<vmem>>, vector<16xi32>,
    %swap3A_40 = arith.constant 128 : index
    %swap3A_41 = tpu.vector_load %arg16[%swap3A_40] {strides = array<i32>} : memref<256xi32, #tpu.memory_space<vmem>>, vector<16xi32>,
    tpu.vector_store %arg16[%swap3A_40], %broadcast_in_dim3A_3 {strides = array<i32>} : memref<256xi32, #tpu.memory_space<vmem>>, vector<16xi32>,
    %swap3A_42 = arith.constant 128 : index
    %swap3A_43 = tpu.vector_load %arg17[%swap3A_42] {strides = array<i32>} : memref<256xi32, #tpu.memory_space<vmem>>, vector<16xi32>,
    tpu.vector_store %arg17[%swap3A_42], %broadcast_in_dim3A_3 {strides = array<i32>} : memref<256xi32, #tpu.memory_space<vmem>>, vector<16xi32>,
    %swap3A_44 = arith.constant 144 : index
    %swap3A_45 = tpu.vector_load %arg16[%swap3A_44] {strides = array<i32>} : memref<256xi32, #tpu.memory_space<vmem>>, vector<16xi32>,
    tpu.vector_store %arg16[%swap3A_44], %broadcast_in_dim3A_3 {strides = array<i32>} : memref<256xi32, #tpu.memory_space<vmem>>, vector<16xi32>,
    %swap3A_46 = arith.constant 144 : index
    %swap3A_47 = tpu.vector_load %arg17[%swap3A_46] {strides = array<i32>} : memref<256xi32, #tpu.memory_space<vmem>>, vector<16xi32>,
    tpu.vector_store %arg17[%swap3A_46], %broadcast_in_dim3A_3 {strides = array<i32>} : memref<256xi32, #tpu.memory_space<vmem>>, vector<16xi32>,
    %swap3A_48 = arith.constant 160 : index
    %swap3A_49 = tpu.vector_load %arg16[%swap3A_48] {strides = array<i32>} : memref<256xi32, #tpu.memory_space<vmem>>, vector<16xi32>,
    tpu.vector_store %arg16[%swap3A_48], %broadcast_in_dim3A_3 {strides = array<i32>} : memref<256xi32, #tpu.memory_space<vmem>>, vector<16xi32>,
    %swap3A_50 = arith.constant 160 : index
    %swap3A_51 = tpu.vector_load %arg17[%swap3A_50] {strides = array<i32>} : memref<256xi32, #tpu.memory_space<vmem>>, vector<16xi32>,
    tpu.vector_store %arg17[%swap3A_50], %broadcast_in_dim3A_3 {strides = array<i32>} : memref<256xi32, #tpu.memory_space<vmem>>, vector<16xi32>,
    %swap3A_52 = arith.constant 176 : index
    %swap3A_53 = tpu.vector_load %arg16[%swap3A_52] {strides = array<i32>} : memref<256xi32, #tpu.memory_space<vmem>>, vector<16xi32>,
    tpu.vector_store %arg16[%swap3A_52], %broadcast_in_dim3A_3 {strides = array<i32>} : memref<256xi32, #tpu.memory_space<vmem>>, vector<16xi32>,
    %swap3A_54 = arith.constant 176 : index
    %swap3A_55 = tpu.vector_load %arg17[%swap3A_54] {strides = array<i32>} : memref<256xi32, #tpu.memory_space<vmem>>, vector<16xi32>,
    tpu.vector_store %arg17[%swap3A_54], %broadcast_in_dim3A_3 {strides = array<i32>} : memref<256xi32, #tpu.memory_space<vmem>>, vector<16xi32>,
    %swap3A_56 = arith.constant 192 : index
    %swap3A_57 = tpu.vector_load %arg16[%swap3A_56] {strides = array<i32>} : memref<256xi32, #tpu.memory_space<vmem>>, vector<16xi32>,
    tpu.vector_store %arg16[%swap3A_56], %broadcast_in_dim3A_3 {strides = array<i32>} : memref<256xi32, #tpu.memory_space<vmem>>, vector<16xi32>,
    %swap3A_58 = arith.constant 192 : index
    %swap3A_59 = tpu.vector_load %arg17[%swap3A_58] {strides = array<i32>} : memref<256xi32, #tpu.memory_space<vmem>>, vector<16xi32>,
    tpu.vector_store %arg17[%swap3A_58], %broadcast_in_dim3A_3 {strides = array<i32>} : memref<256xi32, #tpu.memory_space<vmem>>, vector<16xi32>,
    %swap3A_60 = arith.constant 208 : index
    %swap3A_61 = tpu.vector_load %arg16[%swap3A_60] {strides = array<i32>} : memref<256xi32, #tpu.memory_space<vmem>>, vector<16xi32>,
    tpu.vector_store %arg16[%swap3A_60], %broadcast_in_dim3A_3 {strides = array<i32>} : memref<256xi32, #tpu.memory_space<vmem>>, vector<16xi32>,
    %swap3A_62 = arith.constant 208 : index
    %swap3A_63 = tpu.vector_load %arg17[%swap3A_62] {strides = array<i32>} : memref<256xi32, #tpu.memory_space<vmem>>, vector<16xi32>,
    tpu.vector_store %arg17[%swap3A_62], %broadcast_in_dim3A_3 {strides = array<i32>} : memref<256xi32, #tpu.memory_space<vmem>>, vector<16xi32>,
    %swap3A_64 = arith.constant 224 : index
    %swap3A_65 = tpu.vector_load %arg16[%swap3A_64] {strides = array<i32>} : memref<256xi32, #tpu.memory_space<vmem>>, vector<16xi32>,
    tpu.vector_store %arg16[%swap3A_64], %broadcast_in_dim3A_3 {strides = array<i32>} : memref<256xi32, #tpu.memory_space<vmem>>, vector<16xi32>,
    %swap3A_66 = arith.constant 224 : index
    %swap3A_67 = tpu.vector_load %arg17[%swap3A_66] {strides = array<i32>} : memref<256xi32, #tpu.memory_space<vmem>>, vector<16xi32>,
    tpu.vector_store %arg17[%swap3A_66], %broadcast_in_dim3A_3 {strides = array<i32>} : memref<256xi32, #tpu.memory_space<vmem>>, vector<16xi32>,
    %swap3A_68 = arith.constant 240 : index
    %swap3A_69 = tpu.vector_load %arg16[%swap3A_68] {strides = array<i32>} : memref<256xi32, #tpu.memory_space<vmem>>, vector<16xi32>,
    tpu.vector_store %arg16[%swap3A_68], %broadcast_in_dim3A_3 {strides = array<i32>} : memref<256xi32, #tpu.memory_space<vmem>>, vector<16xi32>,
    %swap3A_70 = arith.constant 240 : index
    %swap3A_71 = tpu.vector_load %arg17[%swap3A_70] {strides = array<i32>} : memref<256xi32, #tpu.memory_space<vmem>>, vector<16xi32>,
    tpu.vector_store %arg17[%swap3A_70], %broadcast_in_dim3A_3 {strides = array<i32>} : memref<256xi32, #tpu.memory_space<vmem>>, vector<16xi32>,
    %mul3A_72 = arith.constant 16 : i32
    %mul3A_73 = arith.muli %mul3A_72, %arg1 : i32
    "tpu.region"() ({
      %run_scoped3A = tpu.sem_alloc : memref<!tpu.dma_semaphore, #tpu.memory_space<semaphore_mem>>
      %dma_start3A_165 = arith.constant 0 : i32
      %dma_start3A_166 = tpu.memref_slice %arg18[%mul3A_73, %dma_start3A_165] : memref<256x128xf32, #tpu.memory_space<vmem_shared>> -> memref<16x128xf32, #tpu.memory_space<vmem_shared>>
      %dma_start3A_167 = arith.constant 0 : i32
      %dma_start3A_168 = tpu.memref_slice %arg18[%mul3A_73, %dma_start3A_167] : memref<256x128xf32, #tpu.memory_space<vmem_shared>> -> memref<16x128xf32, #tpu.memory_space<vmem_shared>>
      tpu.enqueue_dma source(%arg15 : memref<16x128xf32, #tpu.memory_space<vmem>>) target(%dma_start3A_168 : memref<16x128xf32, #tpu.memory_space<vmem_shared>>) target_semaphore(%run_scoped3A : memref<!tpu.dma_semaphore, #tpu.memory_space<semaphore_mem>>)
      %dma_wait3A_169 = arith.constant 0 : i32
      %dma_wait3A_170 = tpu.memref_slice %arg18[%mul3A_73, %dma_wait3A_169] : memref<256x128xf32, #tpu.memory_space<vmem_shared>> -> memref<16x128xf32, #tpu.memory_space<vmem_shared>>
      %dma_wait3A_171 = arith.constant 0 : i32
      %dma_wait3A_172 = tpu.memref_slice %arg18[%mul3A_73, %dma_wait3A_171] : memref<256x128xf32, #tpu.memory_space<vmem_shared>> -> memref<16x128xf32, #tpu.memory_space<vmem_shared>>
      tpu.wait_dma2 semaphore(%run_scoped3A : memref<!tpu.dma_semaphore, #tpu.memory_space<semaphore_mem>>) src(%arg15 : memref<16x128xf32, #tpu.memory_space<vmem>>) dst(%dma_wait3A_172 : memref<16x128xf32, #tpu.memory_space<vmem_shared>>)
      tpu.yield
    }) : () -> ()
    %barrier3A = arith.constant 0 : index
    tpu.barrier barrier_id(%barrier3A)
    %sub3A = arith.constant 450 : i32
    %sub3A_74 = arith.subi %sub3A, %add3A : i32
    %add3A_75 = arith.constant 32 : i32
    %add3A_76 = arith.addi %sub3A_74, %add3A_75 : i32
    %sub3A_77 = arith.constant 1 : i32
    %sub3A_78 = arith.subi %add3A_76, %sub3A_77 : i32
    %jit3A = arith.constant 32 : i32
    %div3A = arith.divsi %sub3A_78, %jit3A : i32
    %sign3A = arith.constant 0 : i32
    %sign3A_79 = arith.cmpi sgt, %sub3A_78, %sign3A : i32
    %sign3A_80 = arith.extui %sign3A_79 : i1 to i32
    %sign3A_81 = arith.constant 0 : i32
    %sign3A_82 = arith.cmpi slt, %sub3A_78, %sign3A_81 : i32
    %sign3A_83 = arith.extui %sign3A_82 : i1 to i32
    %sign3A_84 = arith.subi %sign3A_80, %sign3A_83 : i32
    %sign3A_85 = arith.constant 0 : i32
    %sign3A_86 = arith.cmpi sgt, %jit3A, %sign3A_85 : i32
    %sign3A_87 = arith.extui %sign3A_86 : i1 to i32
    %sign3A_88 = arith.constant 0 : i32
    %sign3A_89 = arith.cmpi slt, %jit3A, %sign3A_88 : i32
    %sign3A_90 = arith.extui %sign3A_89 : i1 to i32
    %sign3A_91 = arith.subi %sign3A_87, %sign3A_90 : i32
    %ne3A = arith.cmpi ne, %sign3A_84, %sign3A_91 : i32
    %rem3A = arith.remsi %sub3A_78, %jit3A : i32
    %ne3A_92 = arith.constant 0 : i32
    %ne3A_93 = arith.cmpi ne, %rem3A, %ne3A_92 : i32
    %and3A = arith.andi %ne3A, %ne3A_93 : i1
    %sub3A_94 = arith.constant 1 : i32
    %sub3A_95 = arith.subi %div3A, %sub3A_94 : i32
    %select_n3A = arith.select %and3A, %sub3A_95, %div3A : i32
    %add3A_96 = arith.constant 0 : i32
    %add3A_97 = arith.addi %add3A, %add3A_96 : i32
    %mul3A_98 = arith.constant 80 : i32
    %mul3A_99 = arith.muli %add3A_97, %mul3A_98 : i32
    %dma_start3A = arith.constant 0 : i32
    %dma_start3A_100 = tpu.memref_slice %arg2[%mul3A_99, %dma_start3A] : memref<100000x128xf32, #tpu.memory_space<hbm>> -> memref<80x128xf32, #tpu.memory_space<hbm>>
    %dma_start3A_101 = arith.constant 0 : i32
    %dma_start3A_102 = tpu.memref_slice %arg2[%mul3A_99, %dma_start3A_101] : memref<100000x128xf32, #tpu.memory_space<hbm>> -> memref<80x128xf32, #tpu.memory_space<hbm>>
    tpu.enqueue_dma source(%dma_start3A_102 : memref<80x128xf32, #tpu.memory_space<hbm>>) target(%arg8 : memref<80x128xf32, #tpu.memory_space<vmem>>) target_semaphore(%arg19 : memref<!tpu.dma_semaphore, #tpu.memory_space<semaphore_mem>>)
    %dma_start3A_103 = tpu.memref_slice %arg3[%mul3A_99] : memref<100000xi32, #tpu.memory_space<hbm>> -> memref<80xi32, #tpu.memory_space<hbm>>
    %dma_start3A_104 = tpu.memref_slice %arg3[%mul3A_99] : memref<100000xi32, #tpu.memory_space<hbm>> -> memref<80xi32, #tpu.memory_space<hbm>>
    tpu.enqueue_dma source(%dma_start3A_104 : memref<80xi32, #tpu.memory_space<hbm>>) target(%arg10 : memref<80xi32, #tpu.memory_space<vmem>>) target_semaphore(%arg21 : memref<!tpu.dma_semaphore, #tpu.memory_space<semaphore_mem>>)
    %dma_start3A_105 = tpu.memref_slice %arg4[%mul3A_99] : memref<100016xi32, #tpu.memory_space<hbm>> -> memref<96xi32, #tpu.memory_space<hbm>>
    %dma_start3A_106 = tpu.memref_slice %arg4[%mul3A_99] : memref<100016xi32, #tpu.memory_space<hbm>> -> memref<96xi32, #tpu.memory_space<hbm>>
    tpu.enqueue_dma source(%dma_start3A_106 : memref<96xi32, #tpu.memory_space<hbm>>) target(%arg12 : memref<96xi32, #tpu.memory_space<vmem>>) target_semaphore(%arg23 : memref<!tpu.dma_semaphore, #tpu.memory_space<semaphore_mem>>)
    %scan3A_107 = arith.constant 0 : i32
    %scan3A_108 = arith.constant 0 : i32
    %scan3A_109 = arith.constant 8 : i32
    %scan3A_110 = arith.addi %scan3A_108, %scan3A_109 : i32
    %scan3A_111 = arith.constant 1 : i32
    scf.for %scan3A_165 = %scan3A_108 to %scan3A_110 step %scan3A_111  : i32 {
      %mul3A_166 = arith.constant 2 : i32
      %mul3A_167 = arith.muli %mul3A_166, %scan3A_165 : i32
      %add3A_168 = arith.constant 1 : i32
      %add3A_169 = arith.addi %mul3A_167, %add3A_168 : i32
      %lt3A = arith.cmpi slt, %mul3A_167, %select_n3A : i32
      %convert_element_type3A_170 = arith.extui %lt3A : i1 to i32
      %cond3A_171 = arith.constant 0 : i32
      %cond3A_172 = arith.cmpi ne, %convert_element_type3A_170, %cond3A_171 : i32
      scf.if %cond3A_172 {
        %lt3A_177 = arith.cmpi slt, %add3A_169, %select_n3A : i32
        %convert_element_type3A_178 = arith.extui %lt3A_177 : i1 to i32
        %cond3A_179 = arith.constant 0 : i32
        %cond3A_180 = arith.cmpi ne, %convert_element_type3A_178, %cond3A_179 : i32
        scf.if %cond3A_180 {
          %mul3A_247 = arith.constant 32 : i32
          %mul3A_248 = arith.muli %add3A_169, %mul3A_247 : i32
          %add3A_249 = arith.addi %add3A, %mul3A_248 : i32
          %mul3A_250 = arith.constant 80 : i32
          %mul3A_251 = arith.muli %add3A_249, %mul3A_250 : i32
          %ge3A = arith.constant 2 : i32
          %ge3A_252 = arith.cmpi sge, %add3A_169, %ge3A : i32
          %convert_element_type3A_253 = arith.extui %ge3A_252 : i1 to i32
          %cond3A_254 = arith.constant 0 : i32
          %cond3A_255 = arith.cmpi ne, %convert_element_type3A_253, %cond3A_254 : i32
          scf.if %cond3A_255 {
            %dma_wait3A_264 = arith.constant 0 : i32
            %dma_wait3A_265 = arith.constant 0 : i32
            %dma_wait3A_266 = tpu.memref_slice %arg18[%dma_wait3A_264, %dma_wait3A_265] : memref<256x128xf32, #tpu.memory_space<vmem_shared>> -> memref<256x128xf32, #tpu.memory_space<vmem_shared>>
            tpu.wait_indirect_dma semaphore(%arg26 : memref<!tpu.dma_semaphore, #tpu.memory_space<semaphore_mem>>) src(%arg9 : memref<80x128xf32, #tpu.memory_space<vmem>>) dst(%dma_wait3A_266 : memref<256x128xf32, #tpu.memory_space<vmem_shared>>)
          } else {
          }
          %dma_start3A_256 = arith.constant 0 : i32
          %dma_start3A_257 = tpu.memref_slice %arg2[%mul3A_251, %dma_start3A_256] : memref<100000x128xf32, #tpu.memory_space<hbm>> -> memref<80x128xf32, #tpu.memory_space<hbm>>
          %dma_start3A_258 = arith.constant 0 : i32
          %dma_start3A_259 = tpu.memref_slice %arg2[%mul3A_251, %dma_start3A_258] : memref<100000x128xf32, #tpu.memory_space<hbm>> -> memref<80x128xf32, #tpu.memory_space<hbm>>
          tpu.enqueue_dma source(%dma_start3A_259 : memref<80x128xf32, #tpu.memory_space<hbm>>) target(%arg9 : memref<80x128xf32, #tpu.memory_space<vmem>>) target_semaphore(%arg20 : memref<!tpu.dma_semaphore, #tpu.memory_space<semaphore_mem>>)
          %dma_start3A_260 = tpu.memref_slice %arg3[%mul3A_251] : memref<100000xi32, #tpu.memory_space<hbm>> -> memref<80xi32, #tpu.memory_space<hbm>>
          %dma_start3A_261 = tpu.memref_slice %arg3[%mul3A_251] : memref<100000xi32, #tpu.memory_space<hbm>> -> memref<80xi32, #tpu.memory_space<hbm>>
          tpu.enqueue_dma source(%dma_start3A_261 : memref<80xi32, #tpu.memory_space<hbm>>) target(%arg11 : memref<80xi32, #tpu.memory_space<vmem>>) target_semaphore(%arg22 : memref<!tpu.dma_semaphore, #tpu.memory_space<semaphore_mem>>)
          %dma_start3A_262 = tpu.memref_slice %arg4[%mul3A_251] : memref<100016xi32, #tpu.memory_space<hbm>> -> memref<96xi32, #tpu.memory_space<hbm>>
          %dma_start3A_263 = tpu.memref_slice %arg4[%mul3A_251] : memref<100016xi32, #tpu.memory_space<hbm>> -> memref<96xi32, #tpu.memory_space<hbm>>
          tpu.enqueue_dma source(%dma_start3A_263 : memref<96xi32, #tpu.memory_space<hbm>>) target(%arg13 : memref<96xi32, #tpu.memory_space<vmem>>) target_semaphore(%arg24 : memref<!tpu.dma_semaphore, #tpu.memory_space<semaphore_mem>>)
        } else {
        }
        %mul3A_181 = arith.constant 32 : i32
        %mul3A_182 = arith.muli %mul3A_167, %mul3A_181 : i32
        %add3A_183 = arith.addi %add3A, %mul3A_182 : i32
        %mul3A_184 = arith.constant 80 : i32
        %mul3A_185 = arith.muli %add3A_183, %mul3A_184 : i32
        %dma_wait3A_186 = arith.constant 0 : i32
        %dma_wait3A_187 = arith.constant 0 : i32
        %dma_wait3A_188 = tpu.memref_slice %arg2[%dma_wait3A_186, %dma_wait3A_187] : memref<100000x128xf32, #tpu.memory_space<hbm>> -> memref<80x128xf32, #tpu.memory_space<hbm>>
        %dma_wait3A_189 = arith.constant 0 : i32
        %dma_wait3A_190 = arith.constant 0 : i32
        %dma_wait3A_191 = tpu.memref_slice %arg2[%dma_wait3A_189, %dma_wait3A_190] : memref<100000x128xf32, #tpu.memory_space<hbm>> -> memref<80x128xf32, #tpu.memory_space<hbm>>
        tpu.wait_dma2 semaphore(%arg19 : memref<!tpu.dma_semaphore, #tpu.memory_space<semaphore_mem>>) src(%dma_wait3A_191 : memref<80x128xf32, #tpu.memory_space<hbm>>) dst(%arg8 : memref<80x128xf32, #tpu.memory_space<vmem>>)
        %dma_wait3A_192 = arith.constant 0 : i32
        %dma_wait3A_193 = tpu.memref_slice %arg3[%dma_wait3A_192] : memref<100000xi32, #tpu.memory_space<hbm>> -> memref<80xi32, #tpu.memory_space<hbm>>
        %dma_wait3A_194 = arith.constant 0 : i32
        %dma_wait3A_195 = tpu.memref_slice %arg3[%dma_wait3A_194] : memref<100000xi32, #tpu.memory_space<hbm>> -> memref<80xi32, #tpu.memory_space<hbm>>
        tpu.wait_dma2 semaphore(%arg21 : memref<!tpu.dma_semaphore, #tpu.memory_space<semaphore_mem>>) src(%dma_wait3A_195 : memref<80xi32, #tpu.memory_space<hbm>>) dst(%arg10 : memref<80xi32, #tpu.memory_space<vmem>>)
        %dma_wait3A_196 = arith.constant 0 : i32
        %dma_wait3A_197 = tpu.memref_slice %arg4[%dma_wait3A_196] : memref<100016xi32, #tpu.memory_space<hbm>> -> memref<96xi32, #tpu.memory_space<hbm>>
        %dma_wait3A_198 = arith.constant 0 : i32
        %dma_wait3A_199 = tpu.memref_slice %arg4[%dma_wait3A_198] : memref<100016xi32, #tpu.memory_space<hbm>> -> memref<96xi32, #tpu.memory_space<hbm>>
        tpu.wait_dma2 semaphore(%arg23 : memref<!tpu.dma_semaphore, #tpu.memory_space<semaphore_mem>>) src(%dma_wait3A_199 : memref<96xi32, #tpu.memory_space<hbm>>) dst(%arg12 : memref<96xi32, #tpu.memory_space<vmem>>)
        %dma_start3A_200 = arith.constant 0 : i32
        %dma_start3A_201 = arith.constant 0 : i32
        %dma_start3A_202 = tpu.memref_slice %arg18[%dma_start3A_200, %dma_start3A_201] : memref<256x128xf32, #tpu.memory_space<vmem_shared>> -> memref<256x128xf32, #tpu.memory_space<vmem_shared>>
        tpu.enqueue_indirect_dma source(%arg8 : memref<80x128xf32, #tpu.memory_space<vmem>>) target(%dma_start3A_202 : memref<256x128xf32, #tpu.memory_space<vmem_shared>>) offsets(%arg10 : memref<80xi32, #tpu.memory_space<vmem>>) semaphore(%arg25 : memref<!tpu.dma_semaphore, #tpu.memory_space<semaphore_mem>>) {add = true}
        %get3A = arith.constant 16 : index
        %get3A_203 = tpu.vector_load %arg12[%get3A] {strides = array<i32>} : memref<96xi32, #tpu.memory_space<vmem>>, vector<16xi32>,
        %get3A_204 = arith.constant 15 : index
        %get3A_205 = tpu.vector_load %arg12[%get3A_204] {strides = array<i32>} : memref<96xi32, #tpu.memory_space<vmem>>, vector<16xi32>,
        %ne3A_206 = arith.cmpi ne, %get3A_203, %get3A_205 : vector<16xi32>
        %add3A_207 = arith.constant 0 : i32
        %add3A_208 = arith.addi %mul3A_185, %add3A_207 : i32
        %add3A_209 = vector.broadcast %add3A_208 : i32 to vector<16xi32>
        %add3A_210 = arith.addi %add3A_209, %iota3A : vector<16xi32>
        tpu.vector_store_idx %arg16[%get3A_203], %add3A_210 masked %ne3A_206 : memref<256xi32, #tpu.memory_space<vmem>>[vector<16xi32>], vector<16xi32>, vector<16xi1>
        tpu.vector_store_idx %arg17[%get3A_205], %add3A_210 masked %ne3A_206 : memref<256xi32, #tpu.memory_space<vmem>>[vector<16xi32>], vector<16xi32>, vector<16xi1>
        %get3A_211 = arith.constant 32 : index
        %get3A_212 = tpu.vector_load %arg12[%get3A_211] {strides = array<i32>} : memref<96xi32, #tpu.memory_space<vmem>>, vector<16xi32>,
        %get3A_213 = arith.constant 31 : index
        %get3A_214 = tpu.vector_load %arg12[%get3A_213] {strides = array<i32>} : memref<96xi32, #tpu.memory_space<vmem>>, vector<16xi32>,
        %ne3A_215 = arith.cmpi ne, %get3A_212, %get3A_214 : vector<16xi32>
        %add3A_216 = arith.constant 16 : i32
        %add3A_217 = arith.addi %mul3A_185, %add3A_216 : i32
        %add3A_218 = vector.broadcast %add3A_217 : i32 to vector<16xi32>
        %add3A_219 = arith.addi %add3A_218, %iota3A : vector<16xi32>
        tpu.vector_store_idx %arg16[%get3A_212], %add3A_219 masked %ne3A_215 : memref<256xi32, #tpu.memory_space<vmem>>[vector<16xi32>], vector<16xi32>, vector<16xi1>
        tpu.vector_store_idx %arg17[%get3A_214], %add3A_219 masked %ne3A_215 : memref<256xi32, #tpu.memory_space<vmem>>[vector<16xi32>], vector<16xi32>, vector<16xi1>
        %get3A_220 = arith.constant 48 : index
        %get3A_221 = tpu.vector_load %arg12[%get3A_220] {strides = array<i32>} : memref<96xi32, #tpu.memory_space<vmem>>, vector<16xi32>,
        %get3A_222 = arith.constant 47 : index
        %get3A_223 = tpu.vector_load %arg12[%get3A_222] {strides = array<i32>} : memref<96xi32, #tpu.memory_space<vmem>>, vector<16xi32>,
        %ne3A_224 = arith.cmpi ne, %get3A_221, %get3A_223 : vector<16xi32>
        %add3A_225 = arith.constant 32 : i32
        %add3A_226 = arith.addi %mul3A_185, %add3A_225 : i32
        %add3A_227 = vector.broadcast %add3A_226 : i32 to vector<16xi32>
        %add3A_228 = arith.addi %add3A_227, %iota3A : vector<16xi32>
        tpu.vector_store_idx %arg16[%get3A_221], %add3A_228 masked %ne3A_224 : memref<256xi32, #tpu.memory_space<vmem>>[vector<16xi32>], vector<16xi32>, vector<16xi1>
        tpu.vector_store_idx %arg17[%get3A_223], %add3A_228 masked %ne3A_224 : memref<256xi32, #tpu.memory_space<vmem>>[vector<16xi32>], vector<16xi32>, vector<16xi1>
        %get3A_229 = arith.constant 64 : index
        %get3A_230 = tpu.vector_load %arg12[%get3A_229] {strides = array<i32>} : memref<96xi32, #tpu.memory_space<vmem>>, vector<16xi32>,
        %get3A_231 = arith.constant 63 : index
        %get3A_232 = tpu.vector_load %arg12[%get3A_231] {strides = array<i32>} : memref<96xi32, #tpu.memory_space<vmem>>, vector<16xi32>,
        %ne3A_233 = arith.cmpi ne, %get3A_230, %get3A_232 : vector<16xi32>
        %add3A_234 = arith.constant 48 : i32
        %add3A_235 = arith.addi %mul3A_185, %add3A_234 : i32
        %add3A_236 = vector.broadcast %add3A_235 : i32 to vector<16xi32>
        %add3A_237 = arith.addi %add3A_236, %iota3A : vector<16xi32>
        tpu.vector_store_idx %arg16[%get3A_230], %add3A_237 masked %ne3A_233 : memref<256xi32, #tpu.memory_space<vmem>>[vector<16xi32>], vector<16xi32>, vector<16xi1>
        tpu.vector_store_idx %arg17[%get3A_232], %add3A_237 masked %ne3A_233 : memref<256xi32, #tpu.memory_space<vmem>>[vector<16xi32>], vector<16xi32>, vector<16xi1>
        %get3A_238 = arith.constant 80 : index
        %get3A_239 = tpu.vector_load %arg12[%get3A_238] {strides = array<i32>} : memref<96xi32, #tpu.memory_space<vmem>>, vector<16xi32>,
        %get3A_240 = arith.constant 79 : index
        %get3A_241 = tpu.vector_load %arg12[%get3A_240] {strides = array<i32>} : memref<96xi32, #tpu.memory_space<vmem>>, vector<16xi32>,
        %ne3A_242 = arith.cmpi ne, %get3A_239, %get3A_241 : vector<16xi32>
        %add3A_243 = arith.constant 64 : i32
        %add3A_244 = arith.addi %mul3A_185, %add3A_243 : i32
        %add3A_245 = vector.broadcast %add3A_244 : i32 to vector<16xi32>
        %add3A_246 = arith.addi %add3A_245, %iota3A : vector<16xi32>
        tpu.vector_store_idx %arg16[%get3A_239], %add3A_246 masked %ne3A_242 : memref<256xi32, #tpu.memory_space<vmem>>[vector<16xi32>], vector<16xi32>, vector<16xi1>
        tpu.vector_store_idx %arg17[%get3A_241], %add3A_246 masked %ne3A_242 : memref<256xi32, #tpu.memory_space<vmem>>[vector<16xi32>], vector<16xi32>, vector<16xi1>
      } else {
      }
      %lt3A_173 = arith.cmpi slt, %add3A_169, %select_n3A : i32
      %convert_element_type3A_174 = arith.extui %lt3A_173 : i1 to i32
      %cond3A_175 = arith.constant 0 : i32
      %cond3A_176 = arith.cmpi ne, %convert_element_type3A_174, %cond3A_175 : i32
      scf.if %cond3A_176 {
        %add3A_177 = arith.constant 1 : i32
        %add3A_178 = arith.addi %add3A_169, %add3A_177 : i32
        %lt3A_179 = arith.cmpi slt, %add3A_178, %select_n3A : i32
        %convert_element_type3A_180 = arith.extui %lt3A_179 : i1 to i32
        %cond3A_181 = arith.constant 0 : i32
        %cond3A_182 = arith.cmpi ne, %convert_element_type3A_180, %cond3A_181 : i32
        scf.if %cond3A_182 {
          %add3A_249 = arith.constant 1 : i32
          %add3A_250 = arith.addi %add3A_169, %add3A_249 : i32
          %mul3A_251 = arith.constant 32 : i32
          %mul3A_252 = arith.muli %add3A_250, %mul3A_251 : i32
          %add3A_253 = arith.addi %add3A, %mul3A_252 : i32
          %mul3A_254 = arith.constant 80 : i32
          %mul3A_255 = arith.muli %add3A_253, %mul3A_254 : i32
          %ge3A = arith.constant 2 : i32
          %ge3A_256 = arith.cmpi sge, %add3A_250, %ge3A : i32
          %convert_element_type3A_257 = arith.extui %ge3A_256 : i1 to i32
          %cond3A_258 = arith.constant 0 : i32
          %cond3A_259 = arith.cmpi ne, %convert_element_type3A_257, %cond3A_258 : i32
          scf.if %cond3A_259 {
            %dma_wait3A_268 = arith.constant 0 : i32
            %dma_wait3A_269 = arith.constant 0 : i32
            %dma_wait3A_270 = tpu.memref_slice %arg18[%dma_wait3A_268, %dma_wait3A_269] : memref<256x128xf32, #tpu.memory_space<vmem_shared>> -> memref<256x128xf32, #tpu.memory_space<vmem_shared>>
            tpu.wait_indirect_dma semaphore(%arg25 : memref<!tpu.dma_semaphore, #tpu.memory_space<semaphore_mem>>) src(%arg8 : memref<80x128xf32, #tpu.memory_space<vmem>>) dst(%dma_wait3A_270 : memref<256x128xf32, #tpu.memory_space<vmem_shared>>)
          } else {
          }
          %dma_start3A_260 = arith.constant 0 : i32
          %dma_start3A_261 = tpu.memref_slice %arg2[%mul3A_255, %dma_start3A_260] : memref<100000x128xf32, #tpu.memory_space<hbm>> -> memref<80x128xf32, #tpu.memory_space<hbm>>
          %dma_start3A_262 = arith.constant 0 : i32
          %dma_start3A_263 = tpu.memref_slice %arg2[%mul3A_255, %dma_start3A_262] : memref<100000x128xf32, #tpu.memory_space<hbm>> -> memref<80x128xf32, #tpu.memory_space<hbm>>
          tpu.enqueue_dma source(%dma_start3A_263 : memref<80x128xf32, #tpu.memory_space<hbm>>) target(%arg8 : memref<80x128xf32, #tpu.memory_space<vmem>>) target_semaphore(%arg19 : memref<!tpu.dma_semaphore, #tpu.memory_space<semaphore_mem>>)
          %dma_start3A_264 = tpu.memref_slice %arg3[%mul3A_255] : memref<100000xi32, #tpu.memory_space<hbm>> -> memref<80xi32, #tpu.memory_space<hbm>>
          %dma_start3A_265 = tpu.memref_slice %arg3[%mul3A_255] : memref<100000xi32, #tpu.memory_space<hbm>> -> memref<80xi32, #tpu.memory_space<hbm>>
          tpu.enqueue_dma source(%dma_start3A_265 : memref<80xi32, #tpu.memory_space<hbm>>) target(%arg10 : memref<80xi32, #tpu.memory_space<vmem>>) target_semaphore(%arg21 : memref<!tpu.dma_semaphore, #tpu.memory_space<semaphore_mem>>)
          %dma_start3A_266 = tpu.memref_slice %arg4[%mul3A_255] : memref<100016xi32, #tpu.memory_space<hbm>> -> memref<96xi32, #tpu.memory_space<hbm>>
          %dma_start3A_267 = tpu.memref_slice %arg4[%mul3A_255] : memref<100016xi32, #tpu.memory_space<hbm>> -> memref<96xi32, #tpu.memory_space<hbm>>
          tpu.enqueue_dma source(%dma_start3A_267 : memref<96xi32, #tpu.memory_space<hbm>>) target(%arg12 : memref<96xi32, #tpu.memory_space<vmem>>) target_semaphore(%arg23 : memref<!tpu.dma_semaphore, #tpu.memory_space<semaphore_mem>>)
        } else {
        }
        %mul3A_183 = arith.constant 32 : i32
        %mul3A_184 = arith.muli %add3A_169, %mul3A_183 : i32
        %add3A_185 = arith.addi %add3A, %mul3A_184 : i32
        %mul3A_186 = arith.constant 80 : i32
        %mul3A_187 = arith.muli %add3A_185, %mul3A_186 : i32
        %dma_wait3A_188 = arith.constant 0 : i32
        %dma_wait3A_189 = arith.constant 0 : i32
        %dma_wait3A_190 = tpu.memref_slice %arg2[%dma_wait3A_188, %dma_wait3A_189] : memref<100000x128xf32, #tpu.memory_space<hbm>> -> memref<80x128xf32, #tpu.memory_space<hbm>>
        %dma_wait3A_191 = arith.constant 0 : i32
        %dma_wait3A_192 = arith.constant 0 : i32
        %dma_wait3A_193 = tpu.memref_slice %arg2[%dma_wait3A_191, %dma_wait3A_192] : memref<100000x128xf32, #tpu.memory_space<hbm>> -> memref<80x128xf32, #tpu.memory_space<hbm>>
        tpu.wait_dma2 semaphore(%arg20 : memref<!tpu.dma_semaphore, #tpu.memory_space<semaphore_mem>>) src(%dma_wait3A_193 : memref<80x128xf32, #tpu.memory_space<hbm>>) dst(%arg9 : memref<80x128xf32, #tpu.memory_space<vmem>>)
        %dma_wait3A_194 = arith.constant 0 : i32
        %dma_wait3A_195 = tpu.memref_slice %arg3[%dma_wait3A_194] : memref<100000xi32, #tpu.memory_space<hbm>> -> memref<80xi32, #tpu.memory_space<hbm>>
        %dma_wait3A_196 = arith.constant 0 : i32
        %dma_wait3A_197 = tpu.memref_slice %arg3[%dma_wait3A_196] : memref<100000xi32, #tpu.memory_space<hbm>> -> memref<80xi32, #tpu.memory_space<hbm>>
        tpu.wait_dma2 semaphore(%arg22 : memref<!tpu.dma_semaphore, #tpu.memory_space<semaphore_mem>>) src(%dma_wait3A_197 : memref<80xi32, #tpu.memory_space<hbm>>) dst(%arg11 : memref<80xi32, #tpu.memory_space<vmem>>)
        %dma_wait3A_198 = arith.constant 0 : i32
        %dma_wait3A_199 = tpu.memref_slice %arg4[%dma_wait3A_198] : memref<100016xi32, #tpu.memory_space<hbm>> -> memref<96xi32, #tpu.memory_space<hbm>>
        %dma_wait3A_200 = arith.constant 0 : i32
        %dma_wait3A_201 = tpu.memref_slice %arg4[%dma_wait3A_200] : memref<100016xi32, #tpu.memory_space<hbm>> -> memref<96xi32, #tpu.memory_space<hbm>>
        tpu.wait_dma2 semaphore(%arg24 : memref<!tpu.dma_semaphore, #tpu.memory_space<semaphore_mem>>) src(%dma_wait3A_201 : memref<96xi32, #tpu.memory_space<hbm>>) dst(%arg13 : memref<96xi32, #tpu.memory_space<vmem>>)
        %dma_start3A_202 = arith.constant 0 : i32
        %dma_start3A_203 = arith.constant 0 : i32
        %dma_start3A_204 = tpu.memref_slice %arg18[%dma_start3A_202, %dma_start3A_203] : memref<256x128xf32, #tpu.memory_space<vmem_shared>> -> memref<256x128xf32, #tpu.memory_space<vmem_shared>>
        tpu.enqueue_indirect_dma source(%arg9 : memref<80x128xf32, #tpu.memory_space<vmem>>) target(%dma_start3A_204 : memref<256x128xf32, #tpu.memory_space<vmem_shared>>) offsets(%arg11 : memref<80xi32, #tpu.memory_space<vmem>>) semaphore(%arg26 : memref<!tpu.dma_semaphore, #tpu.memory_space<semaphore_mem>>) {add = true}
        %get3A = arith.constant 16 : index
        %get3A_205 = tpu.vector_load %arg13[%get3A] {strides = array<i32>} : memref<96xi32, #tpu.memory_space<vmem>>, vector<16xi32>,
        %get3A_206 = arith.constant 15 : index
        %get3A_207 = tpu.vector_load %arg13[%get3A_206] {strides = array<i32>} : memref<96xi32, #tpu.memory_space<vmem>>, vector<16xi32>,
        %ne3A_208 = arith.cmpi ne, %get3A_205, %get3A_207 : vector<16xi32>
        %add3A_209 = arith.constant 0 : i32
        %add3A_210 = arith.addi %mul3A_187, %add3A_209 : i32
        %add3A_211 = vector.broadcast %add3A_210 : i32 to vector<16xi32>
        %add3A_212 = arith.addi %add3A_211, %iota3A : vector<16xi32>
        tpu.vector_store_idx %arg16[%get3A_205], %add3A_212 masked %ne3A_208 : memref<256xi32, #tpu.memory_space<vmem>>[vector<16xi32>], vector<16xi32>, vector<16xi1>
        tpu.vector_store_idx %arg17[%get3A_207], %add3A_212 masked %ne3A_208 : memref<256xi32, #tpu.memory_space<vmem>>[vector<16xi32>], vector<16xi32>, vector<16xi1>
        %get3A_213 = arith.constant 32 : index
        %get3A_214 = tpu.vector_load %arg13[%get3A_213] {strides = array<i32>} : memref<96xi32, #tpu.memory_space<vmem>>, vector<16xi32>,
        %get3A_215 = arith.constant 31 : index
        %get3A_216 = tpu.vector_load %arg13[%get3A_215] {strides = array<i32>} : memref<96xi32, #tpu.memory_space<vmem>>, vector<16xi32>,
        %ne3A_217 = arith.cmpi ne, %get3A_214, %get3A_216 : vector<16xi32>
        %add3A_218 = arith.constant 16 : i32
        %add3A_219 = arith.addi %mul3A_187, %add3A_218 : i32
        %add3A_220 = vector.broadcast %add3A_219 : i32 to vector<16xi32>
        %add3A_221 = arith.addi %add3A_220, %iota3A : vector<16xi32>
        tpu.vector_store_idx %arg16[%get3A_214], %add3A_221 masked %ne3A_217 : memref<256xi32, #tpu.memory_space<vmem>>[vector<16xi32>], vector<16xi32>, vector<16xi1>
        tpu.vector_store_idx %arg17[%get3A_216], %add3A_221 masked %ne3A_217 : memref<256xi32, #tpu.memory_space<vmem>>[vector<16xi32>], vector<16xi32>, vector<16xi1>
        %get3A_222 = arith.constant 48 : index
        %get3A_223 = tpu.vector_load %arg13[%get3A_222] {strides = array<i32>} : memref<96xi32, #tpu.memory_space<vmem>>, vector<16xi32>,
        %get3A_224 = arith.constant 47 : index
        %get3A_225 = tpu.vector_load %arg13[%get3A_224] {strides = array<i32>} : memref<96xi32, #tpu.memory_space<vmem>>, vector<16xi32>,
        %ne3A_226 = arith.cmpi ne, %get3A_223, %get3A_225 : vector<16xi32>
        %add3A_227 = arith.constant 32 : i32
        %add3A_228 = arith.addi %mul3A_187, %add3A_227 : i32
        %add3A_229 = vector.broadcast %add3A_228 : i32 to vector<16xi32>
        %add3A_230 = arith.addi %add3A_229, %iota3A : vector<16xi32>
        tpu.vector_store_idx %arg16[%get3A_223], %add3A_230 masked %ne3A_226 : memref<256xi32, #tpu.memory_space<vmem>>[vector<16xi32>], vector<16xi32>, vector<16xi1>
        tpu.vector_store_idx %arg17[%get3A_225], %add3A_230 masked %ne3A_226 : memref<256xi32, #tpu.memory_space<vmem>>[vector<16xi32>], vector<16xi32>, vector<16xi1>
        %get3A_231 = arith.constant 64 : index
        %get3A_232 = tpu.vector_load %arg13[%get3A_231] {strides = array<i32>} : memref<96xi32, #tpu.memory_space<vmem>>, vector<16xi32>,
        %get3A_233 = arith.constant 63 : index
        %get3A_234 = tpu.vector_load %arg13[%get3A_233] {strides = array<i32>} : memref<96xi32, #tpu.memory_space<vmem>>, vector<16xi32>,
        %ne3A_235 = arith.cmpi ne, %get3A_232, %get3A_234 : vector<16xi32>
        %add3A_236 = arith.constant 48 : i32
        %add3A_237 = arith.addi %mul3A_187, %add3A_236 : i32
        %add3A_238 = vector.broadcast %add3A_237 : i32 to vector<16xi32>
        %add3A_239 = arith.addi %add3A_238, %iota3A : vector<16xi32>
        tpu.vector_store_idx %arg16[%get3A_232], %add3A_239 masked %ne3A_235 : memref<256xi32, #tpu.memory_space<vmem>>[vector<16xi32>], vector<16xi32>, vector<16xi1>
        tpu.vector_store_idx %arg17[%get3A_234], %add3A_239 masked %ne3A_235 : memref<256xi32, #tpu.memory_space<vmem>>[vector<16xi32>], vector<16xi32>, vector<16xi1>
        %get3A_240 = arith.constant 80 : index
        %get3A_241 = tpu.vector_load %arg13[%get3A_240] {strides = array<i32>} : memref<96xi32, #tpu.memory_space<vmem>>, vector<16xi32>,
        %get3A_242 = arith.constant 79 : index
        %get3A_243 = tpu.vector_load %arg13[%get3A_242] {strides = array<i32>} : memref<96xi32, #tpu.memory_space<vmem>>, vector<16xi32>,
        %ne3A_244 = arith.cmpi ne, %get3A_241, %get3A_243 : vector<16xi32>
        %add3A_245 = arith.constant 64 : i32
        %add3A_246 = arith.addi %mul3A_187, %add3A_245 : i32
        %add3A_247 = vector.broadcast %add3A_246 : i32 to vector<16xi32>
        %add3A_248 = arith.addi %add3A_247, %iota3A : vector<16xi32>
        tpu.vector_store_idx %arg16[%get3A_241], %add3A_248 masked %ne3A_244 : memref<256xi32, #tpu.memory_space<vmem>>[vector<16xi32>], vector<16xi32>, vector<16xi1>
        tpu.vector_store_idx %arg17[%get3A_243], %add3A_248 masked %ne3A_244 : memref<256xi32, #tpu.memory_space<vmem>>[vector<16xi32>], vector<16xi32>, vector<16xi1>
      } else {
      }
    }
    %scan3A_112 = arith.constant 8 : i32
    %dma_wait3A = arith.constant 0 : i32
    %dma_wait3A_113 = arith.constant 0 : i32
    %dma_wait3A_114 = tpu.memref_slice %arg18[%dma_wait3A, %dma_wait3A_113] : memref<256x128xf32, #tpu.memory_space<vmem_shared>> -> memref<256x128xf32, #tpu.memory_space<vmem_shared>>
    tpu.wait_indirect_dma semaphore(%arg25 : memref<!tpu.dma_semaphore, #tpu.memory_space<semaphore_mem>>) src(%arg8 : memref<80x128xf32, #tpu.memory_space<vmem>>) dst(%dma_wait3A_114 : memref<256x128xf32, #tpu.memory_space<vmem_shared>>)
    %dma_wait3A_115 = arith.constant 0 : i32
    %dma_wait3A_116 = arith.constant 0 : i32
    %dma_wait3A_117 = tpu.memref_slice %arg18[%dma_wait3A_115, %dma_wait3A_116] : memref<256x128xf32, #tpu.memory_space<vmem_shared>> -> memref<256x128xf32, #tpu.memory_space<vmem_shared>>
    tpu.wait_indirect_dma semaphore(%arg26 : memref<!tpu.dma_semaphore, #tpu.memory_space<semaphore_mem>>) src(%arg9 : memref<80x128xf32, #tpu.memory_space<vmem>>) dst(%dma_wait3A_117 : memref<256x128xf32, #tpu.memory_space<vmem_shared>>)
    %sub3A_118 = arith.constant 160 : i32
    %sub3A_119 = arith.subi %sub3A_118, %add3A : i32
    %add3A_120 = arith.constant 32 : i32
    %add3A_121 = arith.addi %sub3A_119, %add3A_120 : i32
    %sub3A_122 = arith.constant 1 : i32
    %sub3A_123 = arith.subi %add3A_121, %sub3A_122 : i32
    %jit3A_124 = arith.constant 32 : i32
    %div3A_125 = arith.divsi %sub3A_123, %jit3A_124 : i32
    %sign3A_126 = arith.constant 0 : i32
    %sign3A_127 = arith.cmpi sgt, %sub3A_123, %sign3A_126 : i32
    %sign3A_128 = arith.extui %sign3A_127 : i1 to i32
    %sign3A_129 = arith.constant 0 : i32
    %sign3A_130 = arith.cmpi slt, %sub3A_123, %sign3A_129 : i32
    %sign3A_131 = arith.extui %sign3A_130 : i1 to i32
    %sign3A_132 = arith.subi %sign3A_128, %sign3A_131 : i32
    %sign3A_133 = arith.constant 0 : i32
    %sign3A_134 = arith.cmpi sgt, %jit3A_124, %sign3A_133 : i32
    %sign3A_135 = arith.extui %sign3A_134 : i1 to i32
    %sign3A_136 = arith.constant 0 : i32
    %sign3A_137 = arith.cmpi slt, %jit3A_124, %sign3A_136 : i32
    %sign3A_138 = arith.extui %sign3A_137 : i1 to i32
    %sign3A_139 = arith.subi %sign3A_135, %sign3A_138 : i32
    %ne3A_140 = arith.cmpi ne, %sign3A_132, %sign3A_139 : i32
    %rem3A_141 = arith.remsi %sub3A_123, %jit3A_124 : i32
    %ne3A_142 = arith.constant 0 : i32
    %ne3A_143 = arith.cmpi ne, %rem3A_141, %ne3A_142 : i32
    %and3A_144 = arith.andi %ne3A_140, %ne3A_143 : i1
    %sub3A_145 = arith.constant 1 : i32
    %sub3A_146 = arith.subi %div3A_125, %sub3A_145 : i32
    %select_n3A_147 = arith.select %and3A_144, %sub3A_146, %div3A_125 : i32
    %while3A = arith.constant 0 : i32
    %while3A_148 = arith.constant 0 : i32
    %while3A_149 = arith.subi %select_n3A_147, %while3A_148 : i32
    %while3A_150 = arith.addi %while3A_148, %while3A_149 : i32
    %while3A_151 = arith.constant 1 : i32
    %while3A_152 = arith.divsi %while3A_149, %while3A_151 : i32
    %while3A_153 = arith.muli %while3A_152, %while3A_151 : i32
    %while3A_154 = arith.addi %while3A_148, %while3A_153 : i32
    %while3A_155 = arith.constant 1 : i32
    scf.for %while3A_165 = %while3A_148 to %while3A_154 step %while3A_155  : i32 {
      %mul3A_166 = arith.constant 32 : i32
      %mul3A_167 = arith.muli %while3A_165, %mul3A_166 : i32
      %add3A_168 = arith.addi %add3A, %mul3A_167 : i32
      %mul3A_169 = arith.constant 400 : i32
      %mul3A_170 = arith.muli %add3A_168, %mul3A_169 : i32
      %add3A_171 = arith.constant 36000 : i32
      %add3A_172 = arith.addi %add3A_171, %mul3A_170 : i32
      "tpu.region"() ({
        %run_scoped3A = tpu.sem_alloc : memref<!tpu.dma_semaphore, #tpu.memory_space<semaphore_mem>>
        %dma_start3A_179 = tpu.memref_slice %arg4[%add3A_172] : memref<100016xi32, #tpu.memory_space<hbm>> -> memref<416xi32, #tpu.memory_space<hbm>>
        %dma_start3A_180 = tpu.memref_slice %arg4[%add3A_172] : memref<100016xi32, #tpu.memory_space<hbm>> -> memref<416xi32, #tpu.memory_space<hbm>>
        tpu.enqueue_dma source(%dma_start3A_180 : memref<416xi32, #tpu.memory_space<hbm>>) target(%arg14 : memref<416xi32, #tpu.memory_space<vmem>>) target_semaphore(%run_scoped3A : memref<!tpu.dma_semaphore, #tpu.memory_space<semaphore_mem>>)
        %dma_wait3A_181 = tpu.memref_slice %arg4[%add3A_172] : memref<100016xi32, #tpu.memory_space<hbm>> -> memref<416xi32, #tpu.memory_space<hbm>>
        %dma_wait3A_182 = tpu.memref_slice %arg4[%add3A_172] : memref<100016xi32, #tpu.memory_space<hbm>> -> memref<416xi32, #tpu.memory_space<hbm>>
        tpu.wait_dma2 semaphore(%run_scoped3A : memref<!tpu.dma_semaphore, #tpu.memory_space<semaphore_mem>>) src(%dma_wait3A_182 : memref<416xi32, #tpu.memory_space<hbm>>) dst(%arg14 : memref<416xi32, #tpu.memory_space<vmem>>)
        tpu.yield
      }) : () -> ()
      %scan3A_173 = arith.constant 0 : i32
      %scan3A_174 = arith.constant 0 : i32
      %scan3A_175 = arith.constant 25 : i32
      %scan3A_176 = arith.addi %scan3A_174, %scan3A_175 : i32
      %scan3A_177 = arith.constant 1 : i32
      scf.for %scan3A_179 = %scan3A_174 to %scan3A_176 step %scan3A_177  : i32 {
        %mul3A_180 = arith.constant 16 : i32
        %mul3A_181 = arith.muli %mul3A_180, %scan3A_179 : i32
        %add3A_182 = arith.constant 16 : i32
        %add3A_183 = arith.addi %add3A_182, %mul3A_181 : i32
        %get3A = arith.index_cast %add3A_183 : i32 to index
        %get3A_184 = tpu.vector_load %arg14[%get3A] {strides = array<i32>} : memref<416xi32, #tpu.memory_space<vmem>>, vector<16xi32>,
        %mul3A_185 = arith.constant 16 : i32
        %mul3A_186 = arith.muli %mul3A_185, %scan3A_179 : i32
        %add3A_187 = arith.constant 15 : i32
        %add3A_188 = arith.addi %add3A_187, %mul3A_186 : i32
        %get3A_189 = arith.index_cast %add3A_188 : i32 to index
        %get3A_190 = tpu.vector_load %arg14[%get3A_189] {strides = array<i32>} : memref<416xi32, #tpu.memory_space<vmem>>, vector<16xi32>,
        %ne3A_191 = arith.cmpi ne, %get3A_184, %get3A_190 : vector<16xi32>
        %mul3A_192 = arith.constant 16 : i32
        %mul3A_193 = arith.muli %mul3A_192, %scan3A_179 : i32
        %add3A_194 = arith.addi %add3A_172, %mul3A_193 : i32
        %add3A_195 = vector.broadcast %add3A_194 : i32 to vector<16xi32>
        %add3A_196 = arith.addi %add3A_195, %iota3A : vector<16xi32>
        tpu.vector_store_idx %arg16[%get3A_184], %add3A_196 masked %ne3A_191 : memref<256xi32, #tpu.memory_space<vmem>>[vector<16xi32>], vector<16xi32>, vector<16xi1>
        tpu.vector_store_idx %arg17[%get3A_190], %add3A_196 masked %ne3A_191 : memref<256xi32, #tpu.memory_space<vmem>>[vector<16xi32>], vector<16xi32>, vector<16xi1>
      }
      %scan3A_178 = arith.constant 25 : i32
    }
    %while3A_156 = arith.constant 1 : i32
    scf.for %while3A_165 = %while3A_154 to %while3A_150 step %while3A_156  : i32 {
      %mul3A_166 = arith.constant 32 : i32
      %mul3A_167 = arith.muli %while3A_165, %mul3A_166 : i32
      %add3A_168 = arith.addi %add3A, %mul3A_167 : i32
      %mul3A_169 = arith.constant 400 : i32
      %mul3A_170 = arith.muli %add3A_168, %mul3A_169 : i32
      %add3A_171 = arith.constant 36000 : i32
      %add3A_172 = arith.addi %add3A_171, %mul3A_170 : i32
      "tpu.region"() ({
        %run_scoped3A = tpu.sem_alloc : memref<!tpu.dma_semaphore, #tpu.memory_space<semaphore_mem>>
        %dma_start3A_179 = tpu.memref_slice %arg4[%add3A_172] : memref<100016xi32, #tpu.memory_space<hbm>> -> memref<416xi32, #tpu.memory_space<hbm>>
        %dma_start3A_180 = tpu.memref_slice %arg4[%add3A_172] : memref<100016xi32, #tpu.memory_space<hbm>> -> memref<416xi32, #tpu.memory_space<hbm>>
        tpu.enqueue_dma source(%dma_start3A_180 : memref<416xi32, #tpu.memory_space<hbm>>) target(%arg14 : memref<416xi32, #tpu.memory_space<vmem>>) target_semaphore(%run_scoped3A : memref<!tpu.dma_semaphore, #tpu.memory_space<semaphore_mem>>)
        %dma_wait3A_181 = tpu.memref_slice %arg4[%add3A_172] : memref<100016xi32, #tpu.memory_space<hbm>> -> memref<416xi32, #tpu.memory_space<hbm>>
        %dma_wait3A_182 = tpu.memref_slice %arg4[%add3A_172] : memref<100016xi32, #tpu.memory_space<hbm>> -> memref<416xi32, #tpu.memory_space<hbm>>
        tpu.wait_dma2 semaphore(%run_scoped3A : memref<!tpu.dma_semaphore, #tpu.memory_space<semaphore_mem>>) src(%dma_wait3A_182 : memref<416xi32, #tpu.memory_space<hbm>>) dst(%arg14 : memref<416xi32, #tpu.memory_space<vmem>>)
        tpu.yield
      }) : () -> ()
      %scan3A_173 = arith.constant 0 : i32
      %scan3A_174 = arith.constant 0 : i32
      %scan3A_175 = arith.constant 25 : i32
      %scan3A_176 = arith.addi %scan3A_174, %scan3A_175 : i32
      %scan3A_177 = arith.constant 1 : i32
      scf.for %scan3A_179 = %scan3A_174 to %scan3A_176 step %scan3A_177  : i32 {
        %mul3A_180 = arith.constant 16 : i32
        %mul3A_181 = arith.muli %mul3A_180, %scan3A_179 : i32
        %add3A_182 = arith.constant 16 : i32
        %add3A_183 = arith.addi %add3A_182, %mul3A_181 : i32
        %get3A = arith.index_cast %add3A_183 : i32 to index
        %get3A_184 = tpu.vector_load %arg14[%get3A] {strides = array<i32>} : memref<416xi32, #tpu.memory_space<vmem>>, vector<16xi32>,
        %mul3A_185 = arith.constant 16 : i32
        %mul3A_186 = arith.muli %mul3A_185, %scan3A_179 : i32
        %add3A_187 = arith.constant 15 : i32
        %add3A_188 = arith.addi %add3A_187, %mul3A_186 : i32
        %get3A_189 = arith.index_cast %add3A_188 : i32 to index
        %get3A_190 = tpu.vector_load %arg14[%get3A_189] {strides = array<i32>} : memref<416xi32, #tpu.memory_space<vmem>>, vector<16xi32>,
        %ne3A_191 = arith.cmpi ne, %get3A_184, %get3A_190 : vector<16xi32>
        %mul3A_192 = arith.constant 16 : i32
        %mul3A_193 = arith.muli %mul3A_192, %scan3A_179 : i32
        %add3A_194 = arith.addi %add3A_172, %mul3A_193 : i32
        %add3A_195 = vector.broadcast %add3A_194 : i32 to vector<16xi32>
        %add3A_196 = arith.addi %add3A_195, %iota3A : vector<16xi32>
        tpu.vector_store_idx %arg16[%get3A_184], %add3A_196 masked %ne3A_191 : memref<256xi32, #tpu.memory_space<vmem>>[vector<16xi32>], vector<16xi32>, vector<16xi1>
        tpu.vector_store_idx %arg17[%get3A_190], %add3A_196 masked %ne3A_191 : memref<256xi32, #tpu.memory_space<vmem>>[vector<16xi32>], vector<16xi32>, vector<16xi1>
      }
      %scan3A_178 = arith.constant 25 : i32
    }
    %eq3A = arith.constant 31 : i32
    %eq3A_157 = arith.cmpi eq, %add3A, %eq3A : i32
    %convert_element_type3A = arith.extui %eq3A_157 : i1 to i32
    %cond3A = arith.constant 0 : i32
    %cond3A_158 = arith.cmpi ne, %convert_element_type3A, %cond3A : i32
    scf.if %cond3A_158 {
      %get3A = arith.constant 400 : index
      %get3A_165 = tpu.vector_load %arg14[%get3A] {strides = array<i32>} : memref<416xi32, #tpu.memory_space<vmem>>, vector<16xi32>,
      %broadcast_in_dim3A_166 = arith.constant 100000 : i32
      %broadcast_in_dim3A_167 = vector.broadcast %broadcast_in_dim3A_166 : i32 to vector<16xi32>
      %eq3A_168 = arith.constant 15 : i32
      %eq3A_169 = vector.broadcast %eq3A_168 : i32 to vector<16xi32>
      %eq3A_170 = arith.cmpi eq, %iota3A, %eq3A_169 : vector<16xi32>
      tpu.vector_store_idx %arg17[%get3A_165], %broadcast_in_dim3A_167 masked %eq3A_170 : memref<256xi32, #tpu.memory_space<vmem>>[vector<16xi32>], vector<16xi32>, vector<16xi1>
    } else {
    }
    "tpu.region"() ({
      %run_scoped3A = tpu.sem_alloc : memref<!tpu.dma_semaphore, #tpu.memory_space<semaphore_mem>>
      %dma_start3A_165 = arith.constant 0 : i32
      %dma_start3A_166 = tpu.memref_slice %arg6[%add3A, %dma_start3A_165] : memref<32x256xi32, #tpu.memory_space<hbm>> -> memref<1x256xi32, #tpu.memory_space<hbm>>
      %dma_start3A_167 = tpu.memref_squeeze %dma_start3A_166 : memref<1x256xi32, #tpu.memory_space<hbm>> -> memref<256xi32, #tpu.memory_space<hbm>>
      %dma_start3A_168 = arith.constant 0 : i32
      %dma_start3A_169 = tpu.memref_slice %arg6[%add3A, %dma_start3A_168] : memref<32x256xi32, #tpu.memory_space<hbm>> -> memref<1x256xi32, #tpu.memory_space<hbm>>
      %dma_start3A_170 = tpu.memref_squeeze %dma_start3A_169 : memref<1x256xi32, #tpu.memory_space<hbm>> -> memref<256xi32, #tpu.memory_space<hbm>>
      tpu.enqueue_dma source(%arg16 : memref<256xi32, #tpu.memory_space<vmem>>) target(%dma_start3A_170 : memref<256xi32, #tpu.memory_space<hbm>>) target_semaphore(%run_scoped3A : memref<!tpu.dma_semaphore, #tpu.memory_space<semaphore_mem>>)
      %dma_wait3A_171 = arith.constant 0 : i32
      %dma_wait3A_172 = tpu.memref_slice %arg6[%add3A, %dma_wait3A_171] : memref<32x256xi32, #tpu.memory_space<hbm>> -> memref<1x256xi32, #tpu.memory_space<hbm>>
      %dma_wait3A_173 = tpu.memref_squeeze %dma_wait3A_172 : memref<1x256xi32, #tpu.memory_space<hbm>> -> memref<256xi32, #tpu.memory_space<hbm>>
      %dma_wait3A_174 = arith.constant 0 : i32
      %dma_wait3A_175 = tpu.memref_slice %arg6[%add3A, %dma_wait3A_174] : memref<32x256xi32, #tpu.memory_space<hbm>> -> memref<1x256xi32, #tpu.memory_space<hbm>>
      %dma_wait3A_176 = tpu.memref_squeeze %dma_wait3A_175 : memref<1x256xi32, #tpu.memory_space<hbm>> -> memref<256xi32, #tpu.memory_space<hbm>>
      tpu.wait_dma2 semaphore(%run_scoped3A : memref<!tpu.dma_semaphore, #tpu.memory_space<semaphore_mem>>) src(%arg16 : memref<256xi32, #tpu.memory_space<vmem>>) dst(%dma_wait3A_176 : memref<256xi32, #tpu.memory_space<hbm>>)
      tpu.yield
    }) : () -> ()
    "tpu.region"() ({
      %run_scoped3A = tpu.sem_alloc : memref<!tpu.dma_semaphore, #tpu.memory_space<semaphore_mem>>
      %dma_start3A_165 = arith.constant 0 : i32
      %dma_start3A_166 = tpu.memref_slice %arg7[%add3A, %dma_start3A_165] : memref<32x256xi32, #tpu.memory_space<hbm>> -> memref<1x256xi32, #tpu.memory_space<hbm>>
      %dma_start3A_167 = tpu.memref_squeeze %dma_start3A_166 : memref<1x256xi32, #tpu.memory_space<hbm>> -> memref<256xi32, #tpu.memory_space<hbm>>
      %dma_start3A_168 = arith.constant 0 : i32
      %dma_start3A_169 = tpu.memref_slice %arg7[%add3A, %dma_start3A_168] : memref<32x256xi32, #tpu.memory_space<hbm>> -> memref<1x256xi32, #tpu.memory_space<hbm>>
      %dma_start3A_170 = tpu.memref_squeeze %dma_start3A_169 : memref<1x256xi32, #tpu.memory_space<hbm>> -> memref<256xi32, #tpu.memory_space<hbm>>
      tpu.enqueue_dma source(%arg17 : memref<256xi32, #tpu.memory_space<vmem>>) target(%dma_start3A_170 : memref<256xi32, #tpu.memory_space<hbm>>) target_semaphore(%run_scoped3A : memref<!tpu.dma_semaphore, #tpu.memory_space<semaphore_mem>>)
      %dma_wait3A_171 = arith.constant 0 : i32
      %dma_wait3A_172 = tpu.memref_slice %arg7[%add3A, %dma_wait3A_171] : memref<32x256xi32, #tpu.memory_space<hbm>> -> memref<1x256xi32, #tpu.memory_space<hbm>>
      %dma_wait3A_173 = tpu.memref_squeeze %dma_wait3A_172 : memref<1x256xi32, #tpu.memory_space<hbm>> -> memref<256xi32, #tpu.memory_space<hbm>>
      %dma_wait3A_174 = arith.constant 0 : i32
      %dma_wait3A_175 = tpu.memref_slice %arg7[%add3A, %dma_wait3A_174] : memref<32x256xi32, #tpu.memory_space<hbm>> -> memref<1x256xi32, #tpu.memory_space<hbm>>
      %dma_wait3A_176 = tpu.memref_squeeze %dma_wait3A_175 : memref<1x256xi32, #tpu.memory_space<hbm>> -> memref<256xi32, #tpu.memory_space<hbm>>
      tpu.wait_dma2 semaphore(%run_scoped3A : memref<!tpu.dma_semaphore, #tpu.memory_space<semaphore_mem>>) src(%arg17 : memref<256xi32, #tpu.memory_space<vmem>>) dst(%dma_wait3A_176 : memref<256xi32, #tpu.memory_space<hbm>>)
      tpu.yield
    }) : () -> ()
    %barrier3A_159 = arith.constant 0 : index
    tpu.barrier barrier_id(%barrier3A_159)
    %eq3A_160 = arith.constant 0 : i32
    %eq3A_161 = arith.cmpi eq, %arg1, %eq3A_160 : i32
    %convert_element_type3A_162 = arith.extui %eq3A_161 : i1 to i32
    %cond3A_163 = arith.constant 0 : i32
    %cond3A_164 = arith.cmpi ne, %convert_element_type3A_162, %cond3A_163 : i32
    scf.if %cond3A_164 {
      "tpu.region"() ({
        %run_scoped3A = tpu.sem_alloc : memref<!tpu.dma_semaphore, #tpu.memory_space<semaphore_mem>>
        %dma_start3A_165 = arith.constant 0 : i32
        %dma_start3A_166 = arith.constant 0 : i32
        %dma_start3A_167 = tpu.memref_slice %arg5[%arg0, %dma_start3A_165, %dma_start3A_166] : memref<2x256x128xf32, #tpu.memory_space<hbm>> -> memref<1x256x128xf32, #tpu.memory_space<hbm>>
        %dma_start3A_168 = tpu.memref_squeeze %dma_start3A_167 : memref<1x256x128xf32, #tpu.memory_space<hbm>> -> memref<256x128xf32, #tpu.memory_space<hbm>>
        tpu.enqueue_dma source(%arg18 : memref<256x128xf32, #tpu.memory_space<vmem_shared>>) target(%dma_start3A_168 : memref<256x128xf32, #tpu.memory_space<hbm>>) target_semaphore(%run_scoped3A : memref<!tpu.dma_semaphore, #tpu.memory_space<semaphore_mem>>)
        %dma_wait3A_169 = arith.constant 0 : i32
        %dma_wait3A_170 = arith.constant 0 : i32
        %dma_wait3A_171 = tpu.memref_slice %arg5[%arg0, %dma_wait3A_169, %dma_wait3A_170] : memref<2x256x128xf32, #tpu.memory_space<hbm>> -> memref<1x256x128xf32, #tpu.memory_space<hbm>>
        %dma_wait3A_172 = tpu.memref_squeeze %dma_wait3A_171 : memref<1x256x128xf32, #tpu.memory_space<hbm>> -> memref<256x128xf32, #tpu.memory_space<hbm>>
        tpu.wait_dma2 semaphore(%run_scoped3A : memref<!tpu.dma_semaphore, #tpu.memory_space<semaphore_mem>>) src(%arg18 : memref<256x128xf32, #tpu.memory_space<vmem_shared>>) dst(%dma_wait3A_172 : memref<256x128xf32, #tpu.memory_space<hbm>>)
        tpu.yield
      }) : () -> ()
    } else {
    }
    return
  }
}

module attributes {stable_mosaic.version = 14 : i64} {
  func.func @_tc_pool(%arg0: i32, %arg1: memref<1x1x4000xi32, #tpu.memory_space<vmem>>, %arg2: memref<4000x128xf32, #tpu.memory_space<vmem>>, %arg3: memref<256x128xf32, #tpu.memory_space<vmem>>, %arg4: memref<256x128xf32, #tpu.memory_space<vmem>>) attributes {dimension_semantics = [#tpu.dimension_semantics<arbitrary>], iteration_bounds = array<i64: 16>, scalar_prefetch = 0 : i64, scratch_operands = 1 : i64, tpu.core_type = #tpu.core_type<tc>, window_params = [{transform_indices = @transform_0, window_bounds = array<i64: 1, 1, 4000>}, {transform_indices = @transform_1, window_bounds = array<i64: 4000, 128>}, {pipeline_mode = #tpu.pipeline_mode<synchronous>, transform_indices = @transform_2, window_bounds = array<i64: 256, 128>}]} {
    %get3A = arith.constant 0 : index
    %get3A_0 = arith.constant 0 : index
    %get3A_1 = arith.constant 0 : index
    %get3A_2 = vector.load %arg1[%get3A, %get3A_0, %get3A_1] : memref<1x1x4000xi32, #tpu.memory_space<vmem>>, vector<1x1x4000xi32>
    %get3A_3 = vector.shape_cast %get3A_2 : vector<1x1x4000xi32> to vector<4000xi32>
    %get3A_4 = arith.constant 0 : index
    %get3A_5 = arith.constant 0 : index
    %get3A_6 = vector.load %arg2[%get3A_4, %get3A_5] : memref<4000x128xf32, #tpu.memory_space<vmem>>, vector<4000x128xf32>
    %convert_element_type3A = arith.truncf %get3A_6 : vector<4000x128xf32> to vector<4000x128xbf16>
    %iota3A = tpu.iota {dimensions = array<i32: 0>} : vector<256x4000xi32>
    %broadcast_in_dim3A = vector.shape_cast %get3A_3 : vector<4000xi32> to vector<1x4000xi32>
    %eq3A = vector.broadcast %broadcast_in_dim3A : vector<1x4000xi32> to vector<256x4000xi32>
    %eq3A_7 = arith.cmpi eq, %iota3A, %eq3A : vector<256x4000xi32>
    %convert_element_type3A_8 = arith.extui %eq3A_7 : vector<256x4000xi1> to vector<256x4000xi32>
    %convert_element_type3A_9 = arith.sitofp %convert_element_type3A_8 : vector<256x4000xi32> to vector<256x4000xf32>
    %convert_element_type3A_10 = arith.truncf %convert_element_type3A_9 : vector<256x4000xf32> to vector<256x4000xbf16>
    %dot_general3A = arith.constant dense<0.000000e+00> : vector<256x128xf32>
    %dot_general3A_11 = tpu.matmul %convert_element_type3A_10, %convert_element_type3A, %dot_general3A {dimension_numbers = #tpu.dot_dimension_numbers<[1], [0], [0], [1], [0, 0, 1, 1], [], []>, transpose_lhs_hint = false} : vector<256x4000xbf16>, vector<4000x128xbf16>, vector<256x128xf32> -> vector<256x128xf32>
    %eq3A_12 = arith.constant 0 : i32
    %eq3A_13 = arith.cmpi eq, %arg0, %eq3A_12 : i32
    %convert_element_type3A_14 = arith.extui %eq3A_13 : i1 to i32
    %cond3A = arith.constant 0 : i32
    %cond3A_15 = arith.cmpi ne, %convert_element_type3A_14, %cond3A : i32
    scf.if %cond3A_15 {
      %swap3A = arith.constant 0 : index
      %swap3A_25 = arith.constant 0 : index
      %swap3A_26 = vector.load %arg4[%swap3A, %swap3A_25] : memref<256x128xf32, #tpu.memory_space<vmem>>, vector<256x128xf32>
      tpu.vector_store %arg4[%swap3A, %swap3A_25], %dot_general3A_11 {strides = array<i32>} : memref<256x128xf32, #tpu.memory_space<vmem>>, vector<256x128xf32>,
    } else {
    }
    %gt3A = arith.constant 0 : i32
    %gt3A_16 = arith.cmpi sgt, %arg0, %gt3A : i32
    %convert_element_type3A_17 = arith.extui %gt3A_16 : i1 to i32
    %cond3A_18 = arith.constant 0 : i32
    %cond3A_19 = arith.cmpi ne, %convert_element_type3A_17, %cond3A_18 : i32
    scf.if %cond3A_19 {
      %get3A_25 = arith.constant 0 : index
      %get3A_26 = arith.constant 0 : index
      %get3A_27 = vector.load %arg4[%get3A_25, %get3A_26] : memref<256x128xf32, #tpu.memory_space<vmem>>, vector<256x128xf32>
      %add3A = arith.addf %get3A_27, %dot_general3A_11 : vector<256x128xf32>
      %swap3A = arith.constant 0 : index
      %swap3A_28 = arith.constant 0 : index
      %swap3A_29 = vector.load %arg4[%swap3A, %swap3A_28] : memref<256x128xf32, #tpu.memory_space<vmem>>, vector<256x128xf32>
      tpu.vector_store %arg4[%swap3A, %swap3A_28], %add3A {strides = array<i32>} : memref<256x128xf32, #tpu.memory_space<vmem>>, vector<256x128xf32>,
    } else {
    }
    %eq3A_20 = arith.constant 15 : i32
    %eq3A_21 = arith.cmpi eq, %arg0, %eq3A_20 : i32
    %convert_element_type3A_22 = arith.extui %eq3A_21 : i1 to i32
    %cond3A_23 = arith.constant 0 : i32
    %cond3A_24 = arith.cmpi ne, %convert_element_type3A_22, %cond3A_23 : i32
    scf.if %cond3A_24 {
      %get3A_25 = arith.constant 0 : index
      %get3A_26 = arith.constant 0 : index
      %get3A_27 = vector.load %arg4[%get3A_25, %get3A_26] : memref<256x128xf32, #tpu.memory_space<vmem>>, vector<256x128xf32>
      %swap3A = arith.constant 0 : index
      %swap3A_28 = arith.constant 0 : index
      %swap3A_29 = vector.load %arg3[%swap3A, %swap3A_28] : memref<256x128xf32, #tpu.memory_space<vmem>>, vector<256x128xf32>
      tpu.vector_store %arg3[%swap3A, %swap3A_28], %get3A_27 {strides = array<i32>} : memref<256x128xf32, #tpu.memory_space<vmem>>, vector<256x128xf32>,
    } else {
    }
    return
  }
  func.func @transform_0(%arg0: i32) -> (i32, i32, i32) {
    %c0_i32 = arith.constant 0 : i32
    %c0_i32_0 = arith.constant 0 : i32
    %c0_i32_1 = arith.constant 0 : i32
    return %arg0, %c0_i32, %c0_i32_0 : i32, i32, i32
  }
  func.func @transform_1(%arg0: i32) -> (i32, i32) {
    %add3A = arith.constant 9 : i32
    %add3A_0 = arith.addi %arg0, %add3A : i32
    %c0_i32 = arith.constant 0 : i32
    %c0_i32_1 = arith.constant 0 : i32
    return %add3A_0, %c0_i32 : i32, i32
  }
  func.func @transform_2(%arg0: i32) -> (i32, i32) {
    %c0_i32 = arith.constant 0 : i32
    %c0_i32_0 = arith.constant 0 : i32
    %c0_i32_1 = arith.constant 0 : i32
    return %c0_i32, %c0_i32_0 : i32, i32
  }
}

module attributes {stable_mosaic.version = 14 : i64} {
  func.func @_combine(%arg0: memref<256x128xf32, #tpu.memory_space<vmem>>, %arg1: memref<2x256x128xf32, #tpu.memory_space<vmem>>, %arg2: memref<32x256xi32, #tpu.memory_space<vmem>>, %arg3: memref<32x256xi32, #tpu.memory_space<vmem>>, %arg4: memref<256x128xf32, #tpu.memory_space<vmem>>) attributes {dimension_semantics = [], scalar_prefetch = 0 : i64, scratch_operands = 0 : i64, tpu.core_type = #tpu.core_type<tc>} {
    %get3A = arith.constant 0 : index
    %get3A_0 = arith.constant 0 : index
    %get3A_1 = vector.load %arg0[%get3A, %get3A_0] : memref<256x128xf32, #tpu.memory_space<vmem>>, vector<256x128xf32>
    %get3A_2 = arith.constant 0 : index
    %get3A_3 = arith.constant 0 : index
    %get3A_4 = arith.constant 0 : index
    %get3A_5 = vector.load %arg1[%get3A_2, %get3A_3, %get3A_4] : memref<2x256x128xf32, #tpu.memory_space<vmem>>, vector<1x256x128xf32>
    %get3A_6 = vector.shape_cast %get3A_5 : vector<1x256x128xf32> to vector<256x128xf32>
    %add3A = arith.addf %get3A_1, %get3A_6 : vector<256x128xf32>
    %get3A_7 = arith.constant 1 : index
    %get3A_8 = arith.constant 0 : index
    %get3A_9 = arith.constant 0 : index
    %get3A_10 = vector.load %arg1[%get3A_7, %get3A_8, %get3A_9] : memref<2x256x128xf32, #tpu.memory_space<vmem>>, vector<1x256x128xf32>
    %get3A_11 = vector.shape_cast %get3A_10 : vector<1x256x128xf32> to vector<256x128xf32>
    %add3A_12 = arith.addf %add3A, %get3A_11 : vector<256x128xf32>
    %get3A_13 = arith.constant 0 : index
    %get3A_14 = arith.constant 0 : index
    %get3A_15 = vector.load %arg3[%get3A_13, %get3A_14] : memref<32x256xi32, #tpu.memory_space<vmem>>, vector<32x256xi32>
    %get3A_16 = arith.constant 0 : index
    %get3A_17 = arith.constant 0 : index
    %get3A_18 = vector.load %arg2[%get3A_16, %get3A_17] : memref<32x256xi32, #tpu.memory_space<vmem>>, vector<32x256xi32>
    %sub3A = arith.subi %get3A_15, %get3A_18 : vector<32x256xi32>
    %convert_element_type3A = arith.sitofp %sub3A : vector<32x256xi32> to vector<32x256xf32>
    %broadcast_in_dim3A = arith.constant 1.000000e+00 : f32
    %broadcast_in_dim3A_19 = vector.broadcast %broadcast_in_dim3A : f32 to vector<32x1xf32>
    %dot_general3A = arith.constant dense<0.000000e+00> : vector<256x1xf32>
    %dot_general3A_20 = tpu.matmul %convert_element_type3A, %broadcast_in_dim3A_19, %dot_general3A {dimension_numbers = #tpu.dot_dimension_numbers<[0], [0], [1], [1], [0, 1, 1, 1], [], []>, precision = #tpu.contract_precision<fp32>, transpose_lhs_hint = false} : vector<32x256xf32>, vector<32x1xf32>, vector<256x1xf32> -> vector<256x1xf32>
    %max3A = arith.constant 1.000000e+00 : f32
    %max3A_21 = vector.broadcast %max3A : f32 to vector<256x1xf32>
    %max3A_22 = arith.maximumf %dot_general3A_20, %max3A_21 : vector<256x1xf32>
    %div3A = vector.broadcast %max3A_22 : vector<256x1xf32> to vector<256x128xf32>
    %div3A_23 = arith.divf %add3A_12, %div3A : vector<256x128xf32>
    %swap3A = arith.constant 0 : index
    %swap3A_24 = arith.constant 0 : index
    %swap3A_25 = vector.load %arg4[%swap3A, %swap3A_24] : memref<256x128xf32, #tpu.memory_space<vmem>>, vector<256x128xf32>
    tpu.vector_store %arg4[%swap3A, %swap3A_24], %div3A_23 {strides = array<i32>} : memref<256x128xf32, #tpu.memory_space<vmem>>, vector<256x128xf32>,
    return
  }
}

</mosaic_0001>

<sc_bundles>
// kernel: kernel.5.cloned.1.call-start
scs
__scs_entry_jumppad:
0x0: {  	(pc) =	sbr.rel $0x88, $3  }
0x1: {  	(tag) =	ssettag $0x0;
	lr =	simm.s32 $0x1  }
0x2: {  	[smem:$0x3F9F] =	sst lr;
	_ =	strace $0xD0000000  }
0x3: {  	_ = 	snop  }
0x4: {  	_ = 	snop  }
0x5: {  	_ = 	snop  }
0x6: {  	_ = 	snop  }
0x7: {  	_ = 	snop  }
__scs_overlays_trampoline_lowered:
0x8: {  	[smem:$0x3FAE] =	sst s0  }
0x9: {  	[smem:$0x3FAF] =	sst s1  }
0xa: {  	[smem:$0x3FB0] =	sst s2  }
0xb: {  	[smem:$0x3FB1] =	sst s3  }
0xc: {  	[smem:$0x3FB2] =	sst s4  }
0xd: {  	[smem:$0x3FB3] =	sst s5  }
0xe: {  	[smem:$0x3FB4] =	sst s6  }
0xf: {  	[smem:$0x3FB5] =	sst s7  }
0x10: {  	[smem:$0x3FB6] =	sst s8  }
0x11: {  	[smem:$0x3FB7] =	sst s9;
	s0 =	simm.s32 @!p0 $0x0  }
0x12: {  	s1 =	sld [smem:$0x3F9D];
	s0 =	simm.s32 @p0 $0x1  }
0x13: {  	[smem:$0x3FB8] =	sst s0;
	s0 =	simm.s32 @!p1 $0x0  }
0x14: {  	s2 =	sld [smem:$0x3F9C];
	s0 =	simm.s32 @p1 $0x1  }
0x15: {  	[smem:$0x3FB9] =	sst s0;
	s0 =	simm.s32 @!p2 $0x0  }
0x16: {  	s3 =	sld [smem:$0x3FDB];
	s0 =	simm.s32 @p2 $0x1  }
0x17: {  	s4 =	simm.s32 $0x1BF5;
	[smem:$0x3FBB] =	sst s0  }
0x18: {  	s0 =	sld [smem:$0x3F9E];
	_ =	swait.ge [sflag:s4], $0x0  }
0x19: {  	s7 =	sld [smem:$0x3F9F]  }
0x1a: {  	s8 =	sadd.s32 $0xFFFFE003, lr  }
0x1b: {  	s9 =	sadd.s32 $0xFFFFFEF7, lr;
	s5 =	simm.s32 $0xFFFFFFFF;
	p2 =	slt.u32 s8, $0xFFFFF086  }
0x1c: {  	p1 =	slt.u32 s9, $0xF7A;
	s5 =	simm.s32 @!p2 $0x0  }
0x1d: {  	s5 =	simm.s32 @p1 $0x1;
	p0 =	seq.s32 s7, s2  }
0x1e: {  	s7 =	smul.u32 @!p0 $0xF7A, s2;
	p2 =	seq.s32 @!p0 s5, $0x0  }
0x1f: {  	s9 =	smul.u32 $0xF7A, s1;
	s8 =	simm.s32 @!p0 $0x1BF5;
	p2 =	por !p2, p0  }
0x20: {  	[sflag:s8] =	ssyncset.s32 @!p0 $0xFFFFF086;
	s6 =	sadd.s32 @!p0 s3, s7;
	s7 =	simm.s32 @!p0 $0x108  }
0x21: {  	s3 =	sadd.s32 s3, s9;
	s6 =	sadd.s32 @!p0 $0x88, s6;
	s7 =	simm.s32 @p2 $0x1082  }
0x22: {  	[simem:s7], [sflag:s8] =	dma.local @!p0 [hbm:s6], $0xF7A  }
0x23: {  	s9 =	sor.u32 $0xD0000000, s2;
	s6 =	simm.s32 $0x108;
	_ =	swait.ge @!p0 [sflag:s8], $0x0  }
0x24: {  	s3 =	sadd.s32 $0x88, s3;
	s6 =	simm.s32 @!p1 $0x1082;
	[sflag:s4] =	ssyncset.s32 $0xFFFFF086  }
0x25: {  	[simem:s6], [sflag:s4] =	dma.local [hbm:s3], $0xF7A  }
0x26: {  	[smem:$0x3F9F] =	sst s1;
	(tag) =	ssettag s2;
	_ =	strace s9  }
0x27: {  	s1 =	sld [smem:$0x3FAF]  }
0x28: {  	s2 =	sld [smem:$0x3FB0]  }
0x29: {  	s4 =	sld [smem:$0x3FB2]  }
0x2a: {  	p0 =	seq.s32 s5, $0x0;
	s5 =	sld [smem:$0x3FB3]  }
0x2b: {  	s6 =	sld [smem:$0x3FB4]  }
0x2c: {  	s7 =	sld [smem:$0x3FB5]  }
0x2d: {  	s3 =	simm.s32 $0x108;
	s8 =	sld [smem:$0x3FB6]  }
0x2e: {  	s3 =	simm.s32 @!p0 $0x1082;
	s9 =	sld [smem:$0x3FB7]  }
0x2f: {  	lr =	sadd.s32 s0, s3;
	s0 =	sld [smem:$0x3FAE]  }
0x30: {  	s3 =	sld [smem:$0x3FB1]  }
0x31: {  	[smem:$0x3FBA] =	sst s10  }
0x32: {  	s10 =	sld [smem:$0x3FB8];
	_ =	sdelay $0x3  }
0x33: {  	p0 =	seq.s32 s10, $0x1;
	s10 =	sld [smem:$0x3FBA];
	_ =	sdelay $0x3  }
0x34: {  	[smem:$0x3FBA] =	sst s10  }
0x35: {  	s10 =	sld [smem:$0x3FB9];
	_ =	sdelay $0x3  }
0x36: {  	p1 =	seq.s32 s10, $0x1;
	s10 =	sld [smem:$0x3FBA];
	_ =	sdelay $0x3  }
0x37: {  	[smem:$0x3FBA] =	sst s10  }
0x38: {  	s10 =	sld [smem:$0x3FBB]  }
0x39: {  	_ = 	snop;
	(pc) =	sbr.ind lr, $3  }
0x3a: {  	_ = 	snop  }
0x3b: {  	_ = 	snop  }
0x3c: {  	p2 =	seq.s32 s10, $0x1;
	s10 =	sld [smem:$0x3FBA]  }
0x3d: {  	_ =	shalt  }
0x3e: {  	_ =	shalt  }
0x3f: {  	_ =	shalt  }
0x40: {  	_ =	shalt  }
0x41: {  	_ =	shalt  }
0x42: {  	_ =	shalt  }
0x43: {  	_ =	shalt  }
0x44: {  	_ =	shalt  }
0x45: {  	_ =	shalt  }
0x46: {  	_ =	shalt  }
0x47: {  	_ =	shalt  }
0x48: {  	_ =	shalt  }
0x49: {  	_ =	shalt  }
0x4a: {  	_ =	shalt  }
0x4b: {  	_ =	shalt  }
0x4c: {  	_ =	shalt  }
0x4d: {  	_ =	shalt  }
0x4e: {  	_ =	shalt  }
0x4f: {  	_ =	shalt  }
0x50: {  	_ =	shalt  }
0x51: {  	_ =	shalt  }
0x52: {  	_ =	shalt  }
0x53: {  	_ =	shalt  }
0x54: {  	_ =	shalt  }
0x55: {  	_ =	shalt  }
0x56: {  	_ =	shalt  }
0x57: {  	_ =	shalt  }
0x58: {  	_ =	shalt  }
0x59: {  	_ =	shalt  }
0x5a: {  	_ =	shalt  }
0x5b: {  	_ =	shalt  }
0x5c: {  	_ =	shalt  }
0x5d: {  	_ =	shalt  }
0x5e: {  	_ =	shalt  }
0x5f: {  	_ =	shalt  }
0x60: {  	_ =	shalt  }
0x61: {  	_ =	shalt  }
0x62: {  	_ =	shalt  }
0x63: {  	_ =	shalt  }
0x64: {  	_ =	shalt  }
0x65: {  	_ =	shalt  }
0x66: {  	_ =	shalt  }
0x67: {  	_ =	shalt  }
0x68: {  	_ =	shalt  }
0x69: {  	_ =	shalt  }
0x6a: {  	_ =	shalt  }
0x6b: {  	_ =	shalt  }
0x6c: {  	_ =	shalt  }
0x6d: {  	_ =	shalt  }
0x6e: {  	_ =	shalt  }
0x6f: {  	_ =	shalt  }
0x70: {  	_ =	shalt  }
0x71: {  	_ =	shalt  }
0x72: {  	_ =	shalt  }
0x73: {  	_ =	shalt  }
0x74: {  	_ =	shalt  }
0x75: {  	_ =	shalt  }
0x76: {  	_ =	shalt  }
0x77: {  	_ =	shalt  }
0x78: {  	_ =	shalt  }
0x79: {  	_ =	shalt  }
0x7a: {  	_ =	shalt  }
0x7b: {  	_ =	shalt  }
0x7c: {  	_ =	shalt  }
0x7d: {  	_ =	shalt  }
0x7e: {  	_ =	shalt  }
0x7f: {  	_ =	shalt  }
0x80: {  	_ =	shalt  }
0x81: {  	_ =	shalt  }
0x82: {  	_ =	shalt  }
0x83: {  	_ =	shalt  }
0x84: {  	_ =	shalt  }
0x85: {  	_ =	shalt  }
0x86: {  	_ =	shalt  }
0x87: {  	_ =	shalt  }
.Lfunc_end0:
.L_simem_size_0:
called_computation_lowered:
.L_overlay_start_0:
0x88: {  	s2 =	sld [smem:$0x3FD9]  }
0x89: {  	s3 =	sld [smem:$0x3FFE];
	_ =	sdelay $0x1  }
0x8a: {  	s1 =	srdreg.scid  }
0x8b: {  	s0 =	sand.u32 $0x1, s1  }
0x8c: {  	s17 =	sshll.u32 s0, $0xA;
	s2 =	sadd.s32 s3, s2  }
0x8d: {  	s2 =	sadd.s32 s2, s17  }
0x8e: {  	[smem:$0x3FC6] =	sst s2  }
0x8f: {  	_ = 	snop  }
0x90: {  	s2 =	sld [smem:$0x3FC9]  }
0x91: {  	s18 =	sld [smem:$0x3FC8]  }
0x92: {  	s4 =	sld [smem:$0x3FD0];
	(tm) =	ssettm $0x1  }
0x93: {  	s5 =	sld [smem:$0x3FFB];
	_ =	sdelay $0x3  }
0x94: {  	_ =	strace s5  }
0x95: {  	s5 =	sld [smem:$0x3FFC];
	_ =	sdelay $0x3  }
0x96: {  	_ =	strace s5  }
0x97: {  	s5 =	sld [smem:$0x3FFD];
	_ =	sdelay $0x3  }
0x98: {  	_ =	strace s5  }
0x99: {  	_ =	strace $0x8FFFFFFF  }
0x9a: {  	s19 =	sld [smem:$0x3FDB];
	_ =	sdelay $0x1  }
0x9b: {  	s6 =	simm.s32 $_scs_section_size  }
0x9c: {  	s7 =	simm.s32 $_size__tile_overlayer_lowered;
	s8 =	simm.s32 $_tile_overlayer_lowered  }
0x9d: {  	s22 =	simm.s32 $0x1BFF;
	s21 =	sshll.u32 s8, $0x1;
	s5 =	sadd.s32 s6, s19  }
0x9e: {  	s9 =	simm.s32 $0x0;
	s20 =	sshll.u32 s7, $0x1;
	s7 =	sadd.s32 s21, s5  }
0x9f: {  	[timem:s9], [sflag:s22] =	dma.local [hbm:s7], s20  }
0xa0: {  	_ =	swait.ge [sflag:s22], s20  }
0xa1: {  	s6 =	ssub.s32 $0x0, s20;
	[sflag:s22] =	ssyncset.done $0x0  }
0xa2: {  	[sflag:s22] =	ssyncadd.s32 s6;
	_ =	sdelay $0x1  }
0xa3: {  	s23 =	simm.s32 $0x1B8B  }
0xa4: {  	_ =	swait.ge [sflag:s23], $0x1  }
0xa5: {  	[sflag:s23] =	ssyncset.done $0x0  }
0xa6: {  	s25 =	simm.s32 $0x1B8E;
	s24 =	sld [smem:$0x3FFE];
	[sflag:s23] =	ssyncadd.s32 $0xFFFFFFFF  }
0xa7: {  	s26 =	simm.s32 $execute0_lowered;
	[smem:$0x3FD2] =	sst s25  }
0xa8: {  	s7 =	sshll.u32 s26, $0x1;
	_ =	strace $0x80000046;
	[dreg:$0x1] =	wrdreg $0xFFFFFFFF  }
0xa9: {  	s28 =	simm.s32 $_size_execute0_lowered;
	s5 =	sadd.s32 s5, s7;
	[dreg:$0x0] =	wrdreg $0x0  }
0xaa: {  	s7 =	sshll.u32 s28, $0x1;
	[dreg:$0x2] =	wrdreg s5  }
0xab: {  	[dreg:$0x3] =	wrdreg s7  }
0xac: {  	[dreg:$0x4] =	wrdreg $0xC0  }
0xad: {  	_ =	task [dreg:s9], $0x5FFFF  }
0xae: {  	[dreg:$0x1] =	wrdreg $0xFFFFFFFF  }
0xaf: {  	[dreg:$0x0] =	wrdreg $0x60  }
0xb0: {  	[dreg:$0x2] =	wrdreg s2  }
0xb1: {  	[dreg:$0x3] =	wrdreg s18  }
0xb2: {  	[dreg:$0x4] =	wrdreg s24  }
0xb3: {  	[dreg:$0x5] =	wrdreg s4  }
0xb4: {  	[dreg:$0x6] =	wrdreg $0x5E000  }
0xb5: {  	[dreg:$0x7] =	wrdreg $0x9  }
0xb6: {  	_ =	task.clear_ibuf [dreg:s9], $0x8FFFF;
	_ =	strace $0x90000046  }
0xb7: {  	s29 =	simm.s32 $0x9;
	_ =	strace $0x80000048  }
0xb8: {  	_ =	swait.ge [sflag:s29], $0x1  }
0xb9: {  	[sflag:s29] =	ssyncadd.s32 $0xFFFFFFFF  }
0xba: {  	_ =	strace $0x90000048  }
0xbb: {  	_ =	sfence  }
0xbc: {  	s30 =	sld [smem:$0x0];
	_ =	sdelay $0x2  }
0xbd: {  	s31 =	sshll.u32 s1, $0xD;
	s1 =	sshrl.u32 s1, $0x2  }
0xbe: {  	s3 =	sand.u32 $0x4000, s31;
	s1 =	sadd.s32 s1, s30  }
0xbf: {  	s0 =	sor.u32 s3, s0;
	s1 =	sshll.u32 s1, $0x11  }
0xc0: {  	s0 =	sor.u32 s1, s0  }
0xc1: {  	s0 =	sadd.s32 $0x8F2B, s0  }
0xc2: {  	[sflag:s0] =	ssyncadd.remote.s32 $0x1  }
0xc3: {  	_ =	sfence.sel $0xFFFF  }
0xc4: {  	[dreg:$0x0] =	wrdreg $0xFFFFFFFF;
	(pc) =	sbr.abs _section_cstart, $3  }
0xc5: {  	[dreg:$0x1] =	wrdreg $0xFFFFFFFF  }
0xc6: {  	_ =	task.clear_ibuf [dreg:s9], $0x2FFFF;
	_ =	strace $0x9FFFFFFF  }
0xc7: {  	(tm) =	ssettm $0x7FFFFFFF  }
tec
execute0_lowered:
.L_overlay_start_1:
0x0: {  	(tag) =	ssettag $0x1  }
0x1: {  	s0 =	rddreg [dreg:$0x0]  }
0x2: {  	s5 =	rddreg [dreg:$0x1]  }
0x3: {  	s6 =	rddreg [dreg:$0x2]  }
0x4: {  	s7 =	rddreg [dreg:$0x3]  }
0x5: {  	s1 =	rddreg [dreg:$0x4];
	s2 =	simm.s32 $0x0  }
0x6: {  	s3 =	srdreg.scid;
	s8 =	stileid.u32;
	s28 =	simm.s32 $0x50  }
0x7: {  	s29 =	simm.s32 $0x5C00;
	s30 =	simm.s32 $0x5D00;
	s31 =	simm.s32 $0x2  }
0x8: {  	[smem:$0x7FF] =	sst s2;
	s9 =	sand.u32 $0x1, s3;
	s16 =	smul.u32 $0xA0, s8  }
0x9: {  	s4 =	sshll.u32 s8, $0x1;
	s3 =	sadd.s32 $0x1000, s6;
	s26 =	smul.u32 $0x14, s8  }
0xa: {  	s11 =	sshll.u32 s8, $0x6;
	s24 =	sshll.u32 s8, $0xB;
	s19 =	smul.u32 $0xA00, s8  }
0xb: {  	p0 =	sne.s32 s8, $0x0;
	_ =	strace $0x80000047;
	s4 =	sor.u32 s9, s4  }
0xc: {  	s10 =	sshll.u32 s9, $0xC;
	s11 =	sand.u32 $0x300, s11;
	s17 =	smul.u32 $0x50, s9  }
0xd: {  	s22 =	ssub.s32 $0x2, s9;
	s21 =	smul.u32 $0x500, s9;
	s12 =	sshll.u32 s4, $0x4  }
0xe: {  	s10 =	sadd.s32 s10, s6;
	s13 =	smul.u32 $0x500, s4;
	s23 =	sshrl.u32 s22, $0x1  }
0xf: {  	s15 =	smul.u32 $0xA, s4;
	s25 =	ssub.s32 $0x1E1, s4;
	s12 =	sand.u32 $0x70, s12  }
0x10: {  	p1 =	sne.s32 s4, $0x1F;
	s10 =	sadd.s32 $0x4200, s10;
	s11 =	sor.u32 s11, s12  }
0x11: {  	s12 =	ssub.s32 s22, s23;
	s13 =	sadd.s32 s0, s13;
	s18 =	sadd.s32 s5, s15  }
0x12: {  	s15 =	sadd.s32 s3, s15;
	[dreg:$0xc] =	wrdreg s10;
	s23 =	smul.u32 $0x320, s8  }
0x13: {  	s0 =	sadd.s32 s19, s0;
	s5 =	sadd.s32 s26, s5;
	[dreg:$0x7] =	wrdreg s13  }
0x14: {  	s8 =	simm.s32 $0x8;
	s14 =	sadd.s32 s11, s6;
	[dreg:$0x8] =	wrdreg s18  }
0x15: {  	s6 =	sadd.s32 s24, s1;
	[dreg:$0x9] =	wrdreg s15;
	s7 =	sadd.s32 s7, s11  }
0x16: {  	s22 =	smax.u32 s12, $0x1;
	s24 =	smul.u32 $0x190, s9;
	[dreg:$0xe] =	wrdreg s5  }
0x17: {  	s15 =	smul.u32 $0xA, s9;
	s0 =	sadd.s32 s21, s0;
	[dreg:$0x6] =	wrdreg s6  }
0x18: {  	s21 =	simm.s32 $0x9;
	s5 =	simm.s32 $0x2800;
	[dreg:$0xa] =	wrdreg s7  }
0x19: {  	s9 =	simm.s32 $0x5200;
	s20 =	sadd.s32 $0x6200, s14;
	[dreg:$0xd] =	wrdreg s22  }
0x1a: {  	s6 =	sshrl.u32 s25, $0x5;
	s25 =	sadd.s32 s26, s3;
	[dreg:$0xb] =	wrdreg s20  }
0x1b: {  	s12 =	simm.s32 $0x0;
	s0 =	sadd.s32 $0xA000, s0;
	[dreg:$0xf] =	wrdreg s25  }
0x1c: {  	s14 =	sadd.s32 s17, s16;
	s22 =	simm.s32 $0x5000;
	[dreg:$0x10] =	wrdreg s0  }
0x1d: {  	s26 =	sadd.s32 s24, s23;
	s24 =	simm.s32 $0x1;
	s25 =	simm.s32 $0x3  }
0x1e: {  	v0 =	vimm.f32 $0.0e+00;
	s20 =	simm.s32 $0x6;
	s23 =	simm.s32 $0x5080;
	s0 =	sadd.s32 $0x8CA0, s26  }
0x1f: {  	v1 =	vimm.s32 $0x0;
	v2 =	vlaneseq.u32;
	vm0 =	vcmask @!p1 $0x3F3C;
	s26 =	simm.s32 $0x5;
	[dreg:$0x11] =	wrdreg s0;
	s0 =	simm.s32 $0x4  }
.LBB2_1:
0x20: {  	s10 =	simm.s32 $0x0;
	s13 =	simm.s32 $0x200  }
.LBB2_2:
0x21: {  	p2 =	sne.s32 s13, $0x1E00;
	[tilespmem:s10+$0x5470] =	vst v0  }
0x22: {  	[tilespmem:s10+$0x5400] =	vst v0  }
0x23: {  	[tilespmem:s10+$0x5410] =	vst v0  }
.Ltmp0:
0x24: {  	[tilespmem:s10+$0x5420] =	vst v0;
	(pc) =	sbr.rel @p2 .LBB2_2-.Ltmp0, $4  }
0x25: {  	[tilespmem:s10+$0x5430] =	vst v0  }
0x26: {  	[tilespmem:s10+$0x5440] =	vst v0  }
0x27: {  	[tilespmem:s10+$0x5450] =	vst v0  }
0x28: {  	[tilespmem:s10+$0x5460] =	vst v0;
	s10 =	sshra.s32 s13, $0x2;
	s13 =	sadd.s32 $0x200, s13  }
0x29: {  	[tilespmem:s10+$0x5470] =	vst v0  }
0x2a: {  	[tilespmem:s10+$0x5400] =	vst v0  }
0x2b: {  	[tilespmem:s10+$0x5410] =	vst v0  }
0x2c: {  	[tilespmem:s10+$0x5420] =	vst v0  }
0x2d: {  	[tilespmem:s10+$0x5430] =	vst v0  }
0x2e: {  	[tilespmem:s10+$0x5440] =	vst v0  }
0x2f: {  	[tilespmem:s10+$0x5450] =	vst v0  }
0x30: {  	[tilespmem:s10+$0x5460] =	vst v0  }
0x31: {  	[tilespmem:$0x5C00] =	vst v1  }
0x32: {  	[tilespmem:$0x5D00] =	vst v1  }
0x33: {  	[tilespmem:$0x5C10] =	vst v1  }
0x34: {  	[tilespmem:$0x5D10] =	vst v1  }
0x35: {  	[tilespmem:$0x5C20] =	vst v1  }
0x36: {  	[tilespmem:$0x5D20] =	vst v1  }
0x37: {  	[tilespmem:$0x5C30] =	vst v1  }
0x38: {  	[tilespmem:$0x5D30] =	vst v1  }
0x39: {  	[tilespmem:$0x5C40] =	vst v1  }
0x3a: {  	[tilespmem:$0x5D40] =	vst v1  }
0x3b: {  	[tilespmem:$0x5C50] =	vst v1  }
0x3c: {  	[tilespmem:$0x5D50] =	vst v1  }
0x3d: {  	[tilespmem:$0x5C60] =	vst v1  }
0x3e: {  	[tilespmem:$0x5D60] =	vst v1  }
0x3f: {  	[tilespmem:$0x5C70] =	vst v1  }
0x40: {  	[tilespmem:$0x5D70] =	vst v1  }
0x41: {  	[tilespmem:$0x5C80] =	vst v1  }
0x42: {  	[tilespmem:$0x5D80] =	vst v1  }
0x43: {  	[tilespmem:$0x5C90] =	vst v1  }
0x44: {  	[tilespmem:$0x5D90] =	vst v1  }
0x45: {  	[tilespmem:$0x5CA0] =	vst v1  }
0x46: {  	[tilespmem:$0x5DA0] =	vst v1  }
0x47: {  	[tilespmem:$0x5CB0] =	vst v1  }
0x48: {  	[tilespmem:$0x5DB0] =	vst v1  }
0x49: {  	[tilespmem:$0x5CC0] =	vst v1  }
0x4a: {  	[tilespmem:$0x5DC0] =	vst v1  }
0x4b: {  	[tilespmem:$0x5CD0] =	vst v1  }
0x4c: {  	[tilespmem:$0x5DD0] =	vst v1  }
0x4d: {  	[tilespmem:$0x5CE0] =	vst v1  }
0x4e: {  	[tilespmem:$0x5DE0] =	vst v1  }
0x4f: {  	[tilespmem:$0x5CF0] =	vst v1  }
0x50: {  	s7 =	rddreg [dreg:$0x6];
	s11 =	simm.s32 $0x5400;
	[tilespmem:$0x5DF0] =	vst v1  }
0x51: {  	[spmem:s7] =	stream.linear.scatter [tilespmem:s11], [sflag:$0x9], $0x800, $0x38;
	[tilespmem:$0x6600] =	vst v63  }
0x52: {  	_ =	swait.ge [sflag:s21], $0x800  }
0x53: {  	[sflag:s21] =	ssyncset.done $0x0  }
0x54: {  	[sflag:s21] =	ssyncadd.s32 $0xFFFFF800  }
0x55: {  	[bflag:$0x0] =	sbarrier.arrive $0xFFFF  }
0x56: {  	s19 =	simm.s32 $0x0;
	s13 =	rddreg [dreg:$0x7]  }
0x57: {  	[tilespmem:s19], [sflag:$0x1] =	stream.linear.gather [hbm4b:s13+s19], $0x2800, $0x38;
	[tilespmem:$0x6600] =	vst v63  }
0x58: {  	s16 =	rddreg [dreg:$0x8]  }
0x59: {  	[tilespmem:s22], [sflag:$0x3] =	stream.linear.gather [hbm4b:s16+s19], $0x50, $0x38;
	[tilespmem:$0x6600] =	vst v63  }
.Ltmp1:
0x5a: {  	s17 =	rddreg [dreg:$0x9];
	(pc) =	sbr.rel .LBB2_4-.Ltmp1, $4  }
0x5b: {  	s18 =	simm.s32 $0x5100;
	s16 =	rddreg [dreg:$0xe]  }
0x5c: {  	[tilespmem:s18], [sflag:$0x5] =	stream.linear.gather [hbm4b:s17+s19], $0x60, $0x38;
	[tilespmem:$0x6600] =	vst v63  }
0x5d: {  	s18 =	rddreg [dreg:$0x10]  }
0x5e: {  	s13 =	simm.s32 $0x0;
	s17 =	rddreg [dreg:$0xf]  }
.LBB2_8:
0x5f: {  	s13 =	sadd.s32 $0x1400, s13  }
0x60: {  	p2 =	sne.s32 s13, $0xA000  }
.Ltmp2:
0x61: {  	_ = 	snop;
	(pc) =	sbr.rel @!p2 .LBB2_9-.Ltmp2, $3  }
0x62: {  	_ =	sdelay $0x1  }
0x63: {  	s16 =	sadd.s32 $0x280, s16  }
0x64: {  	s17 =	sadd.s32 $0x280, s17;
	s18 =	sadd.s32 $0x14000, s18;
	s19 =	smov.u32 s10  }
.LBB2_4:
0x65: {  	p3 =	sge.u32 s19, s6  }
.Ltmp3:
0x66: {  	_ = 	snop;
	(pc) =	sbr.rel @p3 .LBB2_6-.Ltmp3, $3  }
0x67: {  	_ =	sdelay $0x1  }
0x68: {  	s10 =	sadd.s32 $0x1, s19  }
0x69: {  	p2 =	sge.u32 s10, s6  }
0x6a: {  	p3 =	seq.s32 @!p2 s13, $0x0  }
0x6b: {  	p3 =	por p3, p2  }
0x6c: {  	s10 =	simm.s32 @!p3 $0x8  }
0x6d: {  	_ =	swait.ge @!p3 [sflag:s10], $0x2800  }
0x6e: {  	[sflag:s10] =	ssyncset.done @!p3 $0x0  }
0x6f: {  	s11 =	simm.s32 @!p2 $0x2800;
	[sflag:s10] =	ssyncadd.s32 @!p3 $0xFFFFD800;
	s10 =	simm.s32 @!p2 $0x0  }
0x70: {  	[tilespmem:s11], [sflag:$0x2] =	stream.linear.gather @!p2 [hbm4b:s18+s10], $0x2800, $0x38;
	[tilespmem:$0x6600] =	vst v63  }
0x71: {  	s11 =	sadd.s32 @!p2 s16, s15  }
0x72: {  	s7 =	simm.s32 @!p2 $0x5080;
	s11 =	sadd.s32 @!p2 $0x140, s11  }
0x73: {  	[tilespmem:s7], [sflag:$0x4] =	stream.linear.gather @!p2 [hbm4b:s11+s10], $0x50, $0x38;
	[tilespmem:$0x6600] =	vst v63  }
0x74: {  	s7 =	sadd.s32 @!p2 s17, s15  }
0x75: {  	s11 =	simm.s32 @!p2 $0x5180;
	s7 =	sadd.s32 @!p2 $0x140, s7  }
0x76: {  	[tilespmem:s11], [sflag:$0x6] =	stream.linear.gather @!p2 [hbm4b:s7+s10], $0x60, $0x38;
	[tilespmem:$0x6600] =	vst v63  }
0x77: {  	_ =	swait.ge [sflag:s24], $0x2800  }
0x78: {  	[sflag:s24] =	ssyncset.done $0x0  }
0x79: {  	[sflag:s24] =	ssyncadd.s32 $0xFFFFD800  }
0x7a: {  	_ =	swait.ge [sflag:s25], $0x50  }
0x7b: {  	[sflag:s25] =	ssyncset.done $0x0  }
0x7c: {  	[sflag:s25] =	ssyncadd.s32 $0xFFFFFFB0  }
0x7d: {  	_ =	swait.ge [sflag:s26], $0x60  }
0x7e: {  	[sflag:s26] =	ssyncset.done $0x0  }
0x7f: {  	[sflag:s26] =	ssyncadd.s32 $0xFFFFFFA0  }
0x80: {  	[spmem:s1] =	stream.indirect.scatter.add.f32 [tilespmem:s2], [sflag:$0x7], $0x80, s22, s28, $0xb8;
	[tilespmem:$0x6600] =	vst v63  }
0x81: {  	v3 =	vld [tilespmem:$0x5110]  }
0x82: {  	v4 =	vld [tilespmem:$0x510F];
	_ =	sdelay $0x4  }
0x83: {  	vm1 =	vne.s32 v3, v4;
	_ =	sdelay $0x3  }
0x84: {  	s7 =	sadd.s32 s13, s14  }
0x85: {  	v5 =	vor.u32 s7, v2  }
0x86: {  	[tilespmem:v3+s29+$0x0] =	vst.idx.msk vm1, v5  }
0x87: {  	[tilespmem:v4+s30+$0x0] =	vst.idx.msk vm1, v5  }
0x88: {  	v3 =	vld [tilespmem:$0x5120]  }
0x89: {  	v4 =	vld [tilespmem:$0x511F];
	_ =	sdelay $0x4  }
0x8a: {  	vm1 =	vne.s32 v3, v4;
	_ =	sdelay $0x3  }
0x8b: {  	s11 =	sadd.s32 $0x10, s7  }
0x8c: {  	v60 =	vor.u32 s11, v2  }
0x8d: {  	[tilespmem:v3+s29+$0x0] =	vst.idx.msk vm1, v60  }
0x8e: {  	[tilespmem:v4+s30+$0x0] =	vst.idx.msk vm1, v60  }
0x8f: {  	v3 =	vld [tilespmem:$0x5130]  }
0x90: {  	v4 =	vld [tilespmem:$0x512F];
	_ =	sdelay $0x4  }
0x91: {  	vm1 =	vne.s32 v3, v4;
	_ =	sdelay $0x3  }
0x92: {  	s11 =	sadd.s32 $0x20, s7  }
0x93: {  	v61 =	vor.u32 s11, v2  }
0x94: {  	[tilespmem:v3+s29+$0x0] =	vst.idx.msk vm1, v61  }
0x95: {  	[tilespmem:v4+s30+$0x0] =	vst.idx.msk vm1, v61  }
0x96: {  	v3 =	vld [tilespmem:$0x5140]  }
0x97: {  	v4 =	vld [tilespmem:$0x513F];
	_ =	sdelay $0x4  }
0x98: {  	vm1 =	vne.s32 v3, v4;
	_ =	sdelay $0x3  }
0x99: {  	s11 =	sadd.s32 $0x30, s7  }
0x9a: {  	v62 =	vor.u32 s11, v2  }
0x9b: {  	[tilespmem:v3+s29+$0x0] =	vst.idx.msk vm1, v62  }
0x9c: {  	[tilespmem:v4+s30+$0x0] =	vst.idx.msk vm1, v62  }
0x9d: {  	v3 =	vld [tilespmem:$0x5150]  }
0x9e: {  	v4 =	vld [tilespmem:$0x514F];
	_ =	sdelay $0x4  }
0x9f: {  	vm1 =	vne.s32 v3, v4;
	_ =	sdelay $0x3  }
0xa0: {  	s7 =	sadd.s32 $0x40, s7  }
0xa1: {  	v63 =	vor.u32 s7, v2  }
0xa2: {  	[tilespmem:v3+s29+$0x0] =	vst.idx.msk vm1, v63  }
0xa3: {  	[tilespmem:v4+s30+$0x0] =	vst.idx.msk vm1, v63  }
.LBB2_6:
.Ltmp4:
0xa4: {  	(pc) =	sbr.rel @p2 .LBB2_8-.Ltmp4, $2  }
0xa5: {  	_ =	sdelay $0x2  }
0xa6: {  	s10 =	sadd.s32 $0x2, s19  }
0xa7: {  	s7 =	sadd.s32 $0x2, s19  }
0xa8: {  	p2 =	sge.u32 s7, s6  }
0xa9: {  	s7 =	simm.s32 @!p2 $0x7  }
0xaa: {  	_ =	swait.ge @!p2 [sflag:s7], $0x2800  }
0xab: {  	[sflag:s7] =	ssyncset.done @!p2 $0x0  }
0xac: {  	s11 =	simm.s32 @!p2 $0x0;
	[sflag:s7] =	ssyncadd.s32 @!p2 $0xFFFFD800;
	s7 =	sadd.s32 @!p2 $0xA000, s18  }
0xad: {  	[tilespmem:s11], [sflag:$0x1] =	stream.linear.gather @!p2 [hbm4b:s7+s11], $0x2800, $0x38;
	[tilespmem:$0x6600] =	vst v63  }
0xae: {  	s7 =	sadd.s32 @!p2 s16, s15  }
0xaf: {  	s19 =	simm.s32 @!p2 $0x5000;
	s7 =	sadd.s32 @!p2 $0x280, s7  }
0xb0: {  	[tilespmem:s19], [sflag:$0x3] =	stream.linear.gather @!p2 [hbm4b:s7+s11], $0x50, $0x38;
	[tilespmem:$0x6600] =	vst v63  }
0xb1: {  	s7 =	sadd.s32 @!p2 s17, s15  }
0xb2: {  	s19 =	simm.s32 @!p2 $0x5100;
	s7 =	sadd.s32 @!p2 $0x280, s7  }
0xb3: {  	[tilespmem:s19], [sflag:$0x5] =	stream.linear.gather @!p2 [hbm4b:s7+s11], $0x60, $0x38;
	[tilespmem:$0x6600] =	vst v63  }
0xb4: {  	_ =	swait.ge [sflag:s31], $0x2800  }
0xb5: {  	[sflag:s31] =	ssyncset.done $0x0  }
0xb6: {  	[sflag:s31] =	ssyncadd.s32 $0xFFFFD800  }
0xb7: {  	_ =	swait.ge [sflag:s0], $0x50  }
0xb8: {  	[sflag:s0] =	ssyncset.done $0x0  }
0xb9: {  	[sflag:s0] =	ssyncadd.s32 $0xFFFFFFB0  }
0xba: {  	_ =	swait.ge [sflag:s20], $0x60  }
0xbb: {  	[sflag:s20] =	ssyncset.done $0x0  }
0xbc: {  	[sflag:s20] =	ssyncadd.s32 $0xFFFFFFA0  }
0xbd: {  	[spmem:s1] =	stream.indirect.scatter.add.f32 [tilespmem:s5], [sflag:$0x8], $0x80, s23, s28, $0xb8;
	[tilespmem:$0x6600] =	vst v63  }
0xbe: {  	v3 =	vld [tilespmem:$0x5190]  }
0xbf: {  	v4 =	vld [tilespmem:$0x518F];
	_ =	sdelay $0x4  }
0xc0: {  	vm1 =	vne.s32 v3, v4;
	_ =	sdelay $0x2  }
0xc1: {  	s7 =	sadd.s32 s13, s14  }
0xc2: {  	s19 =	sadd.s32 $0xA00, s7  }
0xc3: {  	v5 =	vor.u32 s19, v2  }
0xc4: {  	[tilespmem:v3+s29+$0x0] =	vst.idx.msk vm1, v5  }
0xc5: {  	[tilespmem:v4+s30+$0x0] =	vst.idx.msk vm1, v5  }
0xc6: {  	v3 =	vld [tilespmem:$0x51A0]  }
0xc7: {  	v4 =	vld [tilespmem:$0x519F];
	_ =	sdelay $0x4  }
0xc8: {  	vm1 =	vne.s32 v3, v4;
	_ =	sdelay $0x3  }
0xc9: {  	s19 =	sadd.s32 $0xA10, s7  }
0xca: {  	v60 =	vor.u32 s19, v2  }
0xcb: {  	[tilespmem:v3+s29+$0x0] =	vst.idx.msk vm1, v60  }
0xcc: {  	[tilespmem:v4+s30+$0x0] =	vst.idx.msk vm1, v60  }
0xcd: {  	v3 =	vld [tilespmem:$0x51B0]  }
0xce: {  	v4 =	vld [tilespmem:$0x51AF];
	_ =	sdelay $0x4  }
0xcf: {  	vm1 =	vne.s32 v3, v4;
	_ =	sdelay $0x3  }
0xd0: {  	s19 =	sadd.s32 $0xA20, s7  }
0xd1: {  	v61 =	vor.u32 s19, v2  }
0xd2: {  	[tilespmem:v3+s29+$0x0] =	vst.idx.msk vm1, v61  }
0xd3: {  	[tilespmem:v4+s30+$0x0] =	vst.idx.msk vm1, v61  }
0xd4: {  	v3 =	vld [tilespmem:$0x51C0]  }
0xd5: {  	v4 =	vld [tilespmem:$0x51BF];
	_ =	sdelay $0x4  }
0xd6: {  	vm1 =	vne.s32 v3, v4;
	_ =	sdelay $0x3  }
0xd7: {  	s19 =	sadd.s32 $0xA30, s7  }
0xd8: {  	v62 =	vor.u32 s19, v2  }
0xd9: {  	[tilespmem:v3+s29+$0x0] =	vst.idx.msk vm1, v62  }
0xda: {  	[tilespmem:v4+s30+$0x0] =	vst.idx.msk vm1, v62  }
0xdb: {  	v3 =	vld [tilespmem:$0x51D0]  }
0xdc: {  	v4 =	vld [tilespmem:$0x51CF];
	_ =	sdelay $0x4  }
0xdd: {  	vm1 =	vne.s32 v3, v4;
	_ =	sdelay $0x2  }
.Ltmp5:
0xde: {  	_ = 	snop;
	(pc) =	sbr.rel .LBB2_8-.Ltmp5, $4  }
0xdf: {  	s7 =	sadd.s32 $0xA40, s7  }
0xe0: {  	v63 =	vor.u32 s7, v2  }
0xe1: {  	[tilespmem:v3+s29+$0x0] =	vst.idx.msk vm1, v63  }
0xe2: {  	[tilespmem:v4+s30+$0x0] =	vst.idx.msk vm1, v63  }
.LBB2_9:
0xe3: {  	s7 =	simm.s32 $0x7  }
0xe4: {  	_ =	swait.ge [sflag:s7], $0x2800  }
0xe5: {  	[sflag:s7] =	ssyncset.done $0x0  }
0xe6: {  	[sflag:s7] =	ssyncadd.s32 $0xFFFFD800  }
0xe7: {  	_ =	swait.ge [sflag:s8], $0x2800  }
0xe8: {  	s10 =	simm.s32 $0x0;
	[sflag:s8] =	ssyncset.done $0x0  }
0xe9: {  	s16 =	simm.s32 $0x0;
	s13 =	rddreg [dreg:$0x11];
	[sflag:s8] =	ssyncadd.s32 $0xFFFFD800  }
.LBB2_10:
0xea: {  	s7 =	sshll.u32 s16, $0x5  }
0xeb: {  	s7 =	sor.u32 s4, s7  }
0xec: {  	s7 =	smul.u32 $0x190, s7;
	_ =	sdelay $0x1  }
0xed: {  	s7 =	sshrl.u32 s7, $0x3  }
0xee: {  	s7 =	sadd.s32 s3, s7  }
0xef: {  	s7 =	sadd.s32 $0x1194, s7  }
0xf0: {  	[tilespmem:s9], [sflag:$0x9] =	stream.linear.gather [hbm4b:s7+s10], $0x1A0, $0x38;
	[tilespmem:$0x6600] =	vst v63  }
0xf1: {  	_ =	swait.ge [sflag:s21], $0x1A0  }
0xf2: {  	[sflag:s21] =	ssyncset.done $0x0  }
0xf3: {  	s17 =	simm.s32 $0x5210;
	[sflag:s21] =	ssyncadd.s32 $0xFFFFFE60  }
0xf4: {  	v3 =	vld [tilespmem:s17+$0xFFFFFFFF]  }
0xf5: {  	v4 =	vld [tilespmem:s17+$0x0]  }
0xf6: {  	s19 =	simm.s32 $0x10;
	s18 =	simm.s32 $0x0  }
.LBB2_11:
0xf7: {  	p2 =	sne.s32 s19, $0x180;
	_ =	sdelay $0x2  }
0xf8: {  	vm1 =	vne.s32 v4, v3;
	_ =	sdelay $0x3  }
0xf9: {  	s7 =	sadd.s32 s18, s13;
	s18 =	smov.u32 s19  }
0xfa: {  	v5 =	vor.u32 s7, v2  }
.Ltmp6:
0xfb: {  	[tilespmem:v4+s29+$0x0] =	vst.idx.msk vm1, v5;
	(pc) =	sbr.rel @p2 .LBB2_11-.Ltmp6, $4  }
0xfc: {  	s17 =	sadd.s32 $0x10, s17;
	[tilespmem:v3+s30+$0x0] =	vst.idx.msk vm1, v5  }
0xfd: {  	v3 =	vld [tilespmem:s17+$0xFFFFFFFF]  }
0xfe: {  	v4 =	vld [tilespmem:s17+$0x0]  }
0xff: {  	s19 =	sadd.s32 $0x10, s19  }
0x100: {  	_ =	sdelay $0x2  }
0x101: {  	vm1 =	vne.s32 v4, v3  }
0x102: {  	s16 =	sadd.s32 $0x1, s16  }
0x103: {  	p2 =	sne.s32 s16, $0x5  }
.Ltmp7:
0x104: {  	_ = 	snop;
	(pc) =	sbr.rel @p2 .LBB2_10-.Ltmp7, $4  }
0x105: {  	s7 =	sadd.s32 s18, s13  }
0x106: {  	v5 =	vor.u32 s7, v2  }
0x107: {  	[tilespmem:v4+s29+$0x0] =	vst.idx.msk vm1, v5  }
0x108: {  	s13 =	sadd.s32 $0x3200, s13;
	[tilespmem:v3+s30+$0x0] =	vst.idx.msk vm1, v5  }
0x109: {  	v3 =	vld @!p1 [tilespmem:$0x5390];
	_ =	sdelay $0x6  }
0x10a: {  	v4 =	vimm.s32 @!p1 $0x186A0;
	s7 =	simm.s32 @!p1 $0x5D00  }
0x10b: {  	s17 =	rddreg [dreg:$0xa];
	s10 =	simm.s32 $0x80;
	s11 =	simm.s32 $0x400;
	[tilespmem:v3+s7+$0x0] =	vst.idx.msk @!p1 vm0, v4  }
0x10c: {  	[hbm4b:s17+s10] =	stream.strided.scatter [tilespmem:s29], [sflag:$0x9], $0x100, s11, s10, $0x38;
	[tilespmem:$0x6600] =	vst v63  }
0x10d: {  	_ =	swait.ge [sflag:s21], $0x100  }
0x10e: {  	[sflag:s21] =	ssyncset.done $0x0  }
0x10f: {  	s18 =	rddreg [dreg:$0xb];
	[sflag:s21] =	ssyncadd.s32 $0xFFFFFF00  }
0x110: {  	[hbm4b:s18+s10] =	stream.strided.scatter [tilespmem:s30], [sflag:$0x9], $0x100, s11, s10, $0x38;
	[tilespmem:$0x6600] =	vst v63  }
0x111: {  	_ =	swait.ge [sflag:s21], $0x100  }
0x112: {  	[sflag:s21] =	ssyncset.done $0x0  }
0x113: {  	[sflag:s21] =	ssyncadd.s32 $0xFFFFFF00  }
0x114: {  	[bflag:$0x0] =	sbarrier.arrive $0xFFFF  }
0x115: {  	s7 =	sshrl.u32 @!p0 s1, $0x3;
	s10 =	simm.s32 @!p0 $0x1C09;
	s11 =	rddreg [dreg:$0xc]  }
0x116: {  	[hbm:s11], [sflag:s10] =	dma.local @!p0 [spmem:s7], $0x1000  }
0x117: {  	s7 =	simm.s32 @!p0 $0x9  }
0x118: {  	_ =	swait.ge @!p0 [sflag:s7], $0x1000  }
0x119: {  	s12 =	sadd.s32 $0x1, s12;
	s19 =	rddreg [dreg:$0xd]  }
0x11a: {  	p2 =	sne.s32 s12, s19  }
.Ltmp8:
0x11b: {  	_ = 	snop;
	(pc) =	sbr.rel @p2 .LBB2_1-.Ltmp8, $3  }
0x11c: {  	_ =	sdelay $0x1  }
0x11d: {  	[sflag:s7] =	ssyncset.done @!p0 $0x0  }
0x11e: {  	[sflag:s7] =	ssyncadd.s32 @!p0 $0xFFFFF000  }
0x11f: {  	_ =	sfence.sel $0x180000  }
0x120: {  	[bflag:$0x0] =	sbarrier.arrive $0xFFFF  }
0x121: {  	_ =	strace $0x90000047  }
0x122: {  	[bflag:$0x2] =	sbarrier.arrive $0xFFFF  }
0x123: {  	s0 =	rddreg [dreg:$0x5]  }
0x124: {  	s0 =	sadd.s32 @!p0 $0x100000, s0  }
0x125: {  	[sflag:s0] =	ssyncadd.tile.s32 @!p0 $0x1;
	_ =	shalt  }
.Lfunc_end2:
_tile_overlayer_lowered:
.L_overlay_start_2:
0x126: {  	(tag) =	ssettag $0x2  }
0x127: {  	s0 =	rddreg [dreg:$0x0];
	s2 =	stileid.u32  }
0x128: {  	s1 =	rddreg [dreg:$0x1];
	p0 =	sne.s32 s2, $0x0  }
0x129: {  	s3 =	rddreg [dreg:$0x2];
	[bflag:$0x3] =	sbarrier.arrive $0xFFFF;
	s2 =	simm.s32 @!p0 $0x1C09  }
0x12a: {  	[timem:s3], [sflag:s2] =	dma.local @!p0 [hbm:s0], s1  }
0x12b: {  	s0 =	simm.s32 @!p0 $0x9  }
0x12c: {  	_ =	swait.ge @!p0 [sflag:s0], s1  }
0x12d: {  	s1 =	ssub.s32 @!p0 $0x0, s1;
	[sflag:s0] =	ssyncset.done @!p0 $0x0  }
0x12e: {  	[sflag:s0] =	ssyncadd.s32 @!p0 s1  }
0x12f: {  	[bflag:$0x3] =	sbarrier.arrive $0xFFFF  }
0x130: {  	_ =	shalt  }

</sc_bundles>
